<compile_context>
chip_gen: v7x
topology: tpu7x:2x2x1
jax: 0.10.2.dev20260603
libtpu: 0.0.44.dev20260713+nightly
codegen_flags: <defaults>
</compile_context>

<pallas_src>
import functools

import jax
import jax.numpy as jnp
from jax import lax
from jax.experimental import pallas as pl
from jax.experimental.pallas import tpu as pltpu
from jax.experimental.pallas import tpu_sc as plsc

_GATHER_W = 128
_ROW_BLOCK = 4000


def _project_body(tt_ref, at_ref, wt_ref, bt_ref, wa_ref, ba_ref,
                  pta_ref, pat_ref):
    D = tt_ref.shape[1]
    t_proj = jnp.dot(tt_ref[...], wt_ref[...],
                     preferred_element_type=jnp.float32) + bt_ref[...]
    a_proj = jnp.dot(at_ref[...], wa_ref[...],
                     preferred_element_type=jnp.float32) + ba_ref[...]
    pta_ref[:, :D] = t_proj
    pta_ref[:, D:] = a_proj
    pat_ref[:, :D] = a_proj
    pat_ref[:, D:] = t_proj


def _project_tables(time_table, act_table, W_time, b_time, W_act, b_act):
    V, D = time_table.shape
    grid = V // _ROW_BLOCK
    row_spec = pl.BlockSpec((_ROW_BLOCK, D), lambda i: (i, 0))
    out_spec = pl.BlockSpec((_ROW_BLOCK, 2 * D), lambda i: (i, 0))
    full_w = pl.BlockSpec((D, D), lambda i: (0, 0))
    full_b = pl.BlockSpec((1, D), lambda i: (0, 0))
    out_shape = jax.ShapeDtypeStruct((V, 2 * D), jnp.float32)
    return pl.pallas_call(
        _project_body,
        grid=(grid,),
        in_specs=[row_spec, row_spec, full_w, full_b, full_w, full_b],
        out_specs=[out_spec, out_spec],
        out_shape=[out_shape, out_shape],
    )(time_table, act_table, W_time, b_time.reshape(1, D),
      W_act, b_act.reshape(1, D))


def _ctx_body(ctx_ref, g_ref, a_ref, o_ref):
    c = ctx_ref[...]
    gv = c[:, 0:1]
    av = c[:, 1:2]
    n = c.shape[0]
    oh_g = (lax.broadcasted_iota(jnp.int32, (n, g_ref.shape[0]), 1)
            == gv).astype(jnp.float32)
    oh_a = (lax.broadcasted_iota(jnp.int32, (n, a_ref.shape[0]), 1)
            == av).astype(jnp.float32)
    g_emb = jnp.dot(oh_g, g_ref[...], preferred_element_type=jnp.float32,
                    precision=lax.Precision.HIGHEST)
    a_emb = jnp.dot(oh_a, a_ref[...], preferred_element_type=jnp.float32,
                    precision=lax.Precision.HIGHEST)
    o_ref[...] = jnp.concatenate([g_emb, a_emb], axis=-1)


def _ctx_embed(context_tokens, gender_table, age_table):
    n = context_tokens.shape[0]
    dg = gender_table.shape[1]
    da = age_table.shape[1]
    return pl.pallas_call(
        _ctx_body,
        out_shape=jax.ShapeDtypeStruct((n, dg + da), jnp.float32),
    )(context_tokens, gender_table, age_table)


def _sc_gather_one(p_comb, idx, step_k):
    V, D2 = p_comb.shape
    n_rows, W = idx.shape
    n_idx = n_rows * W
    step_rows = step_k * W
    mesh = plsc.VectorSubcoreMesh(core_axis_name="c", subcore_axis_name="s")
    out_t = jax.ShapeDtypeStruct((n_idx, D2), jnp.float32)

    @functools.partial(
        pl.kernel, mesh=mesh, out_type=out_t,
        scratch_types=[pltpu.SemaphoreType.DMA],
        compiler_params=pltpu.CompilerParams(use_tc_tiling_on_sc=True))
    def k(p_hbm, i_hbm, o_hbm, sem):
        def body(i_v, o_v):
            copies = []
            for j in range(step_k):
                copies.append(pltpu.async_copy(
                    p_hbm.at[i_v.at[j]], o_v.at[pl.ds(j * W, W)], sem))
            for c in copies:
                c.wait()

        pltpu.emit_pipeline(
            body,
            grid=(n_rows // step_k,),
            in_specs=[pl.BlockSpec((step_k, W), lambda i: (i, 0))],
            out_specs=[pl.BlockSpec((step_rows, D2), lambda i: (i, 0))],
            core_axis_name=("c", "s"),
            dimension_semantics=(pltpu.PARALLEL,),
        )(i_hbm, o_hbm)

    return k(p_comb, idx)


def kernel(context_tokens, time_tokens, act_tokens, time_table, act_table,
           age_table, gender_table, W_time, b_time, W_act, b_act):
    B, L = time_tokens.shape
    D = time_table.shape[1]
    t_idx = time_tokens.astype(jnp.int32).reshape(B * L // _GATHER_W, _GATHER_W)

    p_ta, p_at = _project_tables(time_table, act_table,
                                 W_time, b_time, W_act, b_act)
    a_tok, _ = lax.optimization_barrier((act_tokens.astype(jnp.int32), p_ta))
    a_idx = a_tok.reshape(B * L // _GATHER_W, _GATHER_W)
    ctx_emb = _ctx_embed(context_tokens.astype(jnp.int32),
                         gender_table, age_table)
    t_wide = _sc_gather_one(p_ta, t_idx, 2)
    a_wide = _sc_gather_one(p_at, a_idx, 2)
    t_emb = t_wide[:, :D].reshape(B, L, D)
    a_emb = a_wide[:, :D].reshape(B, L, D)
    return ctx_emb, t_emb, a_emb

# --- scband reference (transcript-rebuilt; emitter-appended) ---
"""Pipeline reference for scband-embedding-with-features-13967233646886 (READ-ONLY COPY).

The authoritative reference and input builder live on the scoring server;
editing this copy changes nothing except your own understanding.
"""

import jax, jax.numpy as jnp
import numpy as np

B = 4096
L = 200
TIME_VOCAB = 100000
ACT_VOCAB = 100000
TIME_DIM = 64
ACT_DIM = 64
GENDER_VOCAB = 128  # context_vocab_sizes[0] -> age_emb? see note: age_emb uses sizes[0], gender_emb uses sizes[1]
AGE_VOCAB = 128
GEN_VOCAB = 8


def setup_inputs(seed: int = 0) -> dict:
    key = jax.random.key(seed)
    ks = jax.random.split(key, 10)
    # indices: context_tokens[:,0] -> gender_emb (vocab sizes[1]=8), context_tokens[:,1] -> age_emb (vocab sizes[0]=128)
    # keep all context tokens < 8 so both lookups are in range
    context_tokens = jax.random.randint(ks[0], (B, 2), 0, 8, dtype=jnp.int64 if jax.config.jax_enable_x64 else jnp.int32)
    time_tokens = jax.random.randint(ks[1], (B, L), 0, TIME_VOCAB)
    act_tokens = jax.random.randint(ks[2], (B, L), 0, ACT_VOCAB)
    # parameters
    time_table = jax.random.normal(ks[3], (TIME_VOCAB, TIME_DIM), dtype=jnp.float32)
    act_table = jax.random.normal(ks[4], (ACT_VOCAB, ACT_DIM), dtype=jnp.float32)
    age_table = jax.random.normal(ks[5], (AGE_VOCAB, 4), dtype=jnp.float32)
    gender_table = jax.random.normal(ks[6], (GEN_VOCAB, 2), dtype=jnp.float32)
    W_time = jax.random.normal(ks[7], (TIME_DIM, TIME_DIM), dtype=jnp.float32) * (1.0 / np.sqrt(TIME_DIM))
    b_time = jnp.zeros((TIME_DIM,), dtype=jnp.float32)
    W_act = jax.random.normal(ks[8], (ACT_DIM, TIME_DIM), dtype=jnp.float32) * (1.0 / np.sqrt(ACT_DIM))
    b_act = jnp.zeros((TIME_DIM,), dtype=jnp.float32)
    return {
        "context_tokens": context_tokens,
        "time_tokens": time_tokens,
        "act_tokens": act_tokens,
        "time_table": time_table,
        "act_table": act_table,
        "age_table": age_table,
        "gender_table": gender_table,
        "W_time": W_time,
        "b_time": b_time,
        "W_act": W_act,
        "b_act": b_act,
    }


def reference(context_tokens, time_tokens, act_tokens, time_table, act_table,
              age_table, gender_table, W_time, b_time, W_act, b_act):
    # embedding lookups (gather)
    time_emb = jnp.take(time_table, time_tokens, axis=0)          # [B, L, TIME_DIM]
    act_emb = jnp.take(act_table, act_tokens, axis=0)             # [B, L, ACT_DIM]
    # linear projections
    time_emb = time_emb @ W_time + b_time                          # [B, L, TIME_DIM]
    act_emb = act_emb @ W_act + b_act                              # [B, L, TIME_DIM]
    # context embedding: gender from col 0, age from col 1
    gender_vec = jnp.take(gender_table, context_tokens[:, 0], axis=0)  # [B, 2]
    age_vec = jnp.take(age_table, context_tokens[:, 1], axis=0)        # [B, 4]
    ctx_emb = jnp.concatenate([gender_vec, age_vec], axis=-1)          # [B, 6]
    return (ctx_emb, time_emb, act_emb)

if __name__ == "__main__":
    import jax
    _d = setup_inputs()
    print(jax.jit(kernel)(*tuple(_d.values())))

</pallas_src>

<mosaic_0001>
#map = affine_map<(d0, d1) -> (0, 0)>
module attributes {stable_mosaic.version = 14 : i64} {
  func.func @k(%arg0: i32, %arg1: i32, %arg2: memref<100000x128xf32, #tpu.memory_space<hbm>>, %arg3: memref<6400x128xi32, #tpu.memory_space<hbm>>, %arg4: memref<819200x128xf32, #tpu.memory_space<hbm>>, %arg5: memref<!tpu.dma_semaphore, #tpu.memory_space<semaphore_mem>>) attributes {dimension_semantics = [#tpu.dimension_semantics<core_parallel>, #tpu.dimension_semantics<subcore_parallel>], iteration_bounds = array<i64: 2, 16>, scalar_prefetch = 0 : i64, scratch_operands = 1 : i64, tpu.core_type = #tpu.core_type<sc_vector_subcore>, window_params = [{transform_indices = #map}, {transform_indices = #map}, {transform_indices = #map}]} {
    %mul3A = arith.constant 1 : i32
    %mul3A_0 = arith.muli %arg1, %mul3A : i32
    %add3A = arith.constant 0 : i32
    %add3A_1 = arith.addi %add3A, %mul3A_0 : i32
    %mul3A_2 = arith.constant 16 : i32
    %mul3A_3 = arith.muli %arg0, %mul3A_2 : i32
    %add3A_4 = arith.addi %add3A_1, %mul3A_3 : i32
    %mul3A_5 = arith.constant 100 : i32
    %mul3A_6 = arith.muli %add3A_4, %mul3A_5 : i32
    "tpu.region"() ({
      %run_scoped3A = memref.alloca() : memref<2x2x128xi32, #tpu.memory_space<vmem>>
      %run_scoped3A_7 = tpu.sem_alloc : memref<2x!tpu.dma_semaphore, #tpu.memory_space<semaphore_mem>>
      %run_scoped3A_8 = memref.alloca() : memref<2x256x128xf32, #tpu.memory_space<vmem>>
      %run_scoped3A_9 = tpu.sem_alloc : memref<2x!tpu.dma_semaphore, #tpu.memory_space<semaphore_mem>>
      %add3A_10 = arith.constant 0 : i32
      %add3A_11 = arith.addi %add3A_10, %mul3A_6 : i32
      %select_n3A = arith.constant true
      %select_n3A_12 = arith.constant 0 : i32
      %select_n3A_13 = arith.constant -1 : i32
      %select_n3A_14 = arith.select %select_n3A, %select_n3A_13, %select_n3A_12 : i32
      %eq3A = arith.constant -1 : i32
      %eq3A_15 = arith.cmpi eq, %select_n3A_14, %eq3A : i32
      %select_n3A_16 = arith.constant 99 : i32
      %select_n3A_17 = arith.select %eq3A_15, %select_n3A_16, %select_n3A_14 : i32
      %add3A_18 = arith.addi %select_n3A_17, %mul3A_6 : i32
      %select_n3A_19 = arith.constant true
      %select_n3A_20 = arith.constant 0 : i32
      %select_n3A_21 = arith.constant 1 : i32
      %select_n3A_22 = arith.select %select_n3A_19, %select_n3A_21, %select_n3A_20 : i32
      %eq3A_23 = arith.constant 100 : i32
      %eq3A_24 = arith.cmpi eq, %select_n3A_22, %eq3A_23 : i32
      %select_n3A_25 = arith.constant 0 : i32
      %select_n3A_26 = arith.select %eq3A_24, %select_n3A_25, %select_n3A_22 : i32
      %add3A_27 = arith.addi %select_n3A_26, %mul3A_6 : i32
      %add3A_28 = arith.constant 1 : i32
      %add3A_29 = arith.addi %select_n3A_26, %add3A_28 : i32
      %select_n3A_30 = arith.constant true
      %select_n3A_31 = arith.select %select_n3A_30, %add3A_29, %select_n3A_26 : i32
      %eq3A_32 = arith.constant 100 : i32
      %eq3A_33 = arith.cmpi eq, %select_n3A_31, %eq3A_32 : i32
      %select_n3A_34 = arith.constant 0 : i32
      %select_n3A_35 = arith.select %eq3A_33, %select_n3A_34, %select_n3A_31 : i32
      %add3A_36 = arith.addi %select_n3A_35, %mul3A_6 : i32
      "tpu.trace_start"() <{level = 10 : i32, message = "ep_initialize_0"}> : () -> ()
      %rem3A = arith.constant 0 : i32
      %rem3A_37 = arith.constant 2 : i32
      %rem3A_38 = arith.remui %rem3A, %rem3A_37 : i32
      %mul3A_39 = arith.constant 2 : i32
      %mul3A_40 = arith.muli %mul3A_39, %add3A_11 : i32
      %dma_start3A = arith.constant 0 : i32
      %dma_start3A_41 = arith.constant 0 : i32
      %dma_start3A_42 = tpu.memref_slice %run_scoped3A[%rem3A_38, %dma_start3A, %dma_start3A_41] : memref<2x2x128xi32, #tpu.memory_space<vmem>> -> memref<1x2x128xi32, #tpu.memory_space<vmem>>
      %dma_start3A_43 = tpu.memref_squeeze %dma_start3A_42 : memref<1x2x128xi32, #tpu.memory_space<vmem>> -> memref<2x128xi32, #tpu.memory_space<vmem>>
      %dma_start3A_44 = arith.constant 0 : i32
      %dma_start3A_45 = tpu.memref_slice %arg3[%mul3A_40, %dma_start3A_44] : memref<6400x128xi32, #tpu.memory_space<hbm>> -> memref<2x128xi32, #tpu.memory_space<hbm>>
      %dma_start3A_46 = tpu.memref_slice %run_scoped3A_7[%rem3A_38] : memref<2x!tpu.dma_semaphore, #tpu.memory_space<semaphore_mem>> -> memref<1x!tpu.dma_semaphore, #tpu.memory_space<semaphore_mem>>
      %dma_start3A_47 = tpu.memref_squeeze %dma_start3A_46 : memref<1x!tpu.dma_semaphore, #tpu.memory_space<semaphore_mem>> -> memref<!tpu.dma_semaphore, #tpu.memory_space<semaphore_mem>>
      %dma_start3A_48 = arith.constant 0 : i32
      %dma_start3A_49 = arith.constant 0 : i32
      %dma_start3A_50 = tpu.memref_slice %run_scoped3A[%rem3A_38, %dma_start3A_48, %dma_start3A_49] : memref<2x2x128xi32, #tpu.memory_space<vmem>> -> memref<1x2x128xi32, #tpu.memory_space<vmem>>
      %dma_start3A_51 = tpu.memref_squeeze %dma_start3A_50 : memref<1x2x128xi32, #tpu.memory_space<vmem>> -> memref<2x128xi32, #tpu.memory_space<vmem>>
      %dma_start3A_52 = arith.constant 0 : i32
      %dma_start3A_53 = tpu.memref_slice %arg3[%mul3A_40, %dma_start3A_52] : memref<6400x128xi32, #tpu.memory_space<hbm>> -> memref<2x128xi32, #tpu.memory_space<hbm>>
      tpu.enqueue_dma source(%dma_start3A_53 : memref<2x128xi32, #tpu.memory_space<hbm>>) target(%dma_start3A_51 : memref<2x128xi32, #tpu.memory_space<vmem>>) target_semaphore(%dma_start3A_47 : memref<!tpu.dma_semaphore, #tpu.memory_space<semaphore_mem>>)
      %add3A_54 = arith.constant 0 : i32
      %add3A_55 = arith.constant 1 : i32
      %add3A_56 = arith.addi %add3A_54, %add3A_55 : i32
      %select_n3A_57 = arith.constant true
      %select_n3A_58 = arith.constant 0 : i32
      %select_n3A_59 = arith.select %select_n3A_57, %add3A_56, %select_n3A_58 : i32
      "tpu.trace_stop"() : () -> ()
      %scan3A = arith.constant 0 : i32
      %scan3A_60 = arith.constant 0 : i32
      %scan3A_61 = arith.constant 0 : i32
      %scan3A_62 = arith.constant 0 : i32
      %scan3A_63 = arith.constant 0 : i32
      %scan3A_64 = arith.constant 100 : i32
      %scan3A_65 = arith.addi %scan3A_63, %scan3A_64 : i32
      %scan3A_66 = arith.constant 1 : i32
      %scan3A_67:5 = scf.for %scan3A_121 = %scan3A_63 to %scan3A_65 step %scan3A_66 iter_args(%scan3A_122 = %select_n3A_59, %scan3A_123 = %scan3A, %scan3A_124 = %scan3A_60, %scan3A_125 = %scan3A_61, %scan3A_126 = %scan3A_62) -> (i32, i32, i32, i32, i32)  : i32 {
        %eq3A_127 = arith.constant 0 : i32
        %eq3A_128 = arith.cmpi eq, %scan3A_121, %eq3A_127 : i32
        %eq3A_129 = arith.constant 99 : i32
        %eq3A_130 = arith.cmpi eq, %scan3A_121, %eq3A_129 : i32
        %add3A_131 = arith.addi %scan3A_126, %mul3A_6 : i32
        %sub3A_132 = arith.constant 1 : i32
        %sub3A_133 = arith.subi %scan3A_126, %sub3A_132 : i32
        %select_n3A_134 = arith.constant true
        %select_n3A_135 = arith.select %select_n3A_134, %sub3A_133, %scan3A_126 : i32
        %eq3A_136 = arith.constant -1 : i32
        %eq3A_137 = arith.cmpi eq, %select_n3A_135, %eq3A_136 : i32
        %select_n3A_138 = arith.constant 99 : i32
        %select_n3A_139 = arith.select %eq3A_137, %select_n3A_138, %select_n3A_135 : i32
        %add3A_140 = arith.addi %select_n3A_139, %mul3A_6 : i32
        %add3A_141 = arith.constant 1 : i32
        %add3A_142 = arith.addi %scan3A_126, %add3A_141 : i32
        %select_n3A_143 = arith.constant true
        %select_n3A_144 = arith.select %select_n3A_143, %add3A_142, %scan3A_126 : i32
        %eq3A_145 = arith.constant 100 : i32
        %eq3A_146 = arith.cmpi eq, %select_n3A_144, %eq3A_145 : i32
        %select_n3A_147 = arith.constant 0 : i32
        %select_n3A_148 = arith.select %eq3A_146, %select_n3A_147, %select_n3A_144 : i32
        %add3A_149 = arith.addi %select_n3A_148, %mul3A_6 : i32
        %add3A_150 = arith.constant 1 : i32
        %add3A_151 = arith.addi %select_n3A_148, %add3A_150 : i32
        %select_n3A_152 = arith.constant true
        %select_n3A_153 = arith.select %select_n3A_152, %add3A_151, %select_n3A_148 : i32
        %eq3A_154 = arith.constant 100 : i32
        %eq3A_155 = arith.cmpi eq, %select_n3A_153, %eq3A_154 : i32
        %select_n3A_156 = arith.constant 0 : i32
        %select_n3A_157 = arith.select %eq3A_155, %select_n3A_156, %select_n3A_153 : i32
        %add3A_158 = arith.addi %select_n3A_157, %mul3A_6 : i32
        %ne3A = arith.cmpi ne, %add3A_131, %add3A_149 : i32
        %or3A = arith.constant false
        %or3A_159 = arith.ori %or3A, %ne3A : i1
        %or3A_160 = arith.constant false
        %or3A_161 = arith.ori %or3A_159, %or3A_160 : i1
        %ge3A = arith.constant 99 : i32
        %ge3A_162 = arith.cmpi sge, %scan3A_121, %ge3A : i32
        %not3A = arith.constant true
        %not3A_163 = arith.xori %ge3A_162, %not3A : i1
        %and3A = arith.andi %or3A_161, %not3A_163 : i1
        %convert_element_type3A = arith.extui %and3A : i1 to i32
        %cond3A = arith.constant 0 : i32
        %cond3A_164 = arith.cmpi ne, %convert_element_type3A, %cond3A : i32
        scf.if %cond3A_164 {
          "tpu.trace_start"() <{level = 10 : i32, message = "ep_copy_in"}> : () -> ()
          %rem3A_345 = arith.constant 2 : i32
          %rem3A_346 = arith.remui %scan3A_122, %rem3A_345 : i32
          %mul3A_347 = arith.constant 2 : i32
          %mul3A_348 = arith.muli %mul3A_347, %add3A_149 : i32
          %dma_start3A_349 = arith.constant 0 : i32
          %dma_start3A_350 = arith.constant 0 : i32
          %dma_start3A_351 = tpu.memref_slice %run_scoped3A[%rem3A_346, %dma_start3A_349, %dma_start3A_350] : memref<2x2x128xi32, #tpu.memory_space<vmem>> -> memref<1x2x128xi32, #tpu.memory_space<vmem>>
          %dma_start3A_352 = tpu.memref_squeeze %dma_start3A_351 : memref<1x2x128xi32, #tpu.memory_space<vmem>> -> memref<2x128xi32, #tpu.memory_space<vmem>>
          %dma_start3A_353 = arith.constant 0 : i32
          %dma_start3A_354 = tpu.memref_slice %arg3[%mul3A_348, %dma_start3A_353] : memref<6400x128xi32, #tpu.memory_space<hbm>> -> memref<2x128xi32, #tpu.memory_space<hbm>>
          %dma_start3A_355 = tpu.memref_slice %run_scoped3A_7[%rem3A_346] : memref<2x!tpu.dma_semaphore, #tpu.memory_space<semaphore_mem>> -> memref<1x!tpu.dma_semaphore, #tpu.memory_space<semaphore_mem>>
          %dma_start3A_356 = tpu.memref_squeeze %dma_start3A_355 : memref<1x!tpu.dma_semaphore, #tpu.memory_space<semaphore_mem>> -> memref<!tpu.dma_semaphore, #tpu.memory_space<semaphore_mem>>
          %dma_start3A_357 = arith.constant 0 : i32
          %dma_start3A_358 = arith.constant 0 : i32
          %dma_start3A_359 = tpu.memref_slice %run_scoped3A[%rem3A_346, %dma_start3A_357, %dma_start3A_358] : memref<2x2x128xi32, #tpu.memory_space<vmem>> -> memref<1x2x128xi32, #tpu.memory_space<vmem>>
          %dma_start3A_360 = tpu.memref_squeeze %dma_start3A_359 : memref<1x2x128xi32, #tpu.memory_space<vmem>> -> memref<2x128xi32, #tpu.memory_space<vmem>>
          %dma_start3A_361 = arith.constant 0 : i32
          %dma_start3A_362 = tpu.memref_slice %arg3[%mul3A_348, %dma_start3A_361] : memref<6400x128xi32, #tpu.memory_space<hbm>> -> memref<2x128xi32, #tpu.memory_space<hbm>>
          tpu.enqueue_dma source(%dma_start3A_362 : memref<2x128xi32, #tpu.memory_space<hbm>>) target(%dma_start3A_360 : memref<2x128xi32, #tpu.memory_space<vmem>>) target_semaphore(%dma_start3A_356 : memref<!tpu.dma_semaphore, #tpu.memory_space<semaphore_mem>>)
          "tpu.trace_stop"() : () -> ()
        } else {
        }
        %and3A_165 = arith.constant true
        %and3A_166 = arith.andi %and3A, %and3A_165 : i1
        %add3A_167 = arith.constant 1 : i32
        %add3A_168 = arith.addi %scan3A_122, %add3A_167 : i32
        %select_n3A_169 = arith.select %and3A_166, %add3A_168, %scan3A_122 : i32
        %ne3A_170 = arith.cmpi ne, %add3A_131, %add3A_149 : i32
        %or3A_171 = arith.constant false
        %or3A_172 = arith.ori %or3A_171, %ne3A_170 : i1
        %or3A_173 = arith.constant false
        %or3A_174 = arith.ori %or3A_172, %or3A_173 : i1
        %ge3A_175 = arith.constant 99 : i32
        %ge3A_176 = arith.cmpi sge, %scan3A_121, %ge3A_175 : i32
        %not3A_177 = arith.constant true
        %not3A_178 = arith.xori %ge3A_176, %not3A_177 : i1
        %and3A_179 = arith.andi %or3A_174, %not3A_178 : i1
        %ne3A_180 = arith.cmpi ne, %add3A_131, %add3A_140 : i32
        %or3A_181 = arith.constant false
        %or3A_182 = arith.ori %or3A_181, %ne3A_180 : i1
        %or3A_183 = arith.constant false
        %or3A_184 = arith.ori %or3A_182, %or3A_183 : i1
        %or3A_185 = arith.ori %or3A_184, %eq3A_128 : i1
        %convert_element_type3A_186 = arith.extui %or3A_185 : i1 to i32
        %cond3A_187 = arith.constant 0 : i32
        %cond3A_188 = arith.cmpi ne, %convert_element_type3A_186, %cond3A_187 : i32
        scf.if %cond3A_188 {
          "tpu.trace_start"() <{level = 10 : i32, message = "ep_wait_in"}> : () -> ()
          %mul3A_345 = arith.constant 2 : i32
          %mul3A_346 = arith.muli %mul3A_345, %add3A_131 : i32
          %rem3A_347 = arith.constant 2 : i32
          %rem3A_348 = arith.remui %scan3A_123, %rem3A_347 : i32
          %dma_wait3A_349 = arith.constant 0 : i32
          %dma_wait3A_350 = arith.constant 0 : i32
          %dma_wait3A_351 = tpu.memref_slice %run_scoped3A[%rem3A_348, %dma_wait3A_349, %dma_wait3A_350] : memref<2x2x128xi32, #tpu.memory_space<vmem>> -> memref<1x2x128xi32, #tpu.memory_space<vmem>>
          %dma_wait3A_352 = tpu.memref_squeeze %dma_wait3A_351 : memref<1x2x128xi32, #tpu.memory_space<vmem>> -> memref<2x128xi32, #tpu.memory_space<vmem>>
          %dma_wait3A_353 = arith.constant 0 : i32
          %dma_wait3A_354 = tpu.memref_slice %arg3[%mul3A_346, %dma_wait3A_353] : memref<6400x128xi32, #tpu.memory_space<hbm>> -> memref<2x128xi32, #tpu.memory_space<hbm>>
          %dma_wait3A_355 = tpu.memref_slice %run_scoped3A_7[%rem3A_348] : memref<2x!tpu.dma_semaphore, #tpu.memory_space<semaphore_mem>> -> memref<1x!tpu.dma_semaphore, #tpu.memory_space<semaphore_mem>>
          %dma_wait3A_356 = tpu.memref_squeeze %dma_wait3A_355 : memref<1x!tpu.dma_semaphore, #tpu.memory_space<semaphore_mem>> -> memref<!tpu.dma_semaphore, #tpu.memory_space<semaphore_mem>>
          %dma_wait3A_357 = arith.constant 0 : i32
          %dma_wait3A_358 = arith.constant 0 : i32
          %dma_wait3A_359 = tpu.memref_slice %run_scoped3A[%rem3A_348, %dma_wait3A_357, %dma_wait3A_358] : memref<2x2x128xi32, #tpu.memory_space<vmem>> -> memref<1x2x128xi32, #tpu.memory_space<vmem>>
          %dma_wait3A_360 = tpu.memref_squeeze %dma_wait3A_359 : memref<1x2x128xi32, #tpu.memory_space<vmem>> -> memref<2x128xi32, #tpu.memory_space<vmem>>
          %dma_wait3A_361 = arith.constant 0 : i32
          %dma_wait3A_362 = tpu.memref_slice %arg3[%mul3A_346, %dma_wait3A_361] : memref<6400x128xi32, #tpu.memory_space<hbm>> -> memref<2x128xi32, #tpu.memory_space<hbm>>
          tpu.wait_dma2 semaphore(%dma_wait3A_356 : memref<!tpu.dma_semaphore, #tpu.memory_space<semaphore_mem>>) src(%dma_wait3A_362 : memref<2x128xi32, #tpu.memory_space<hbm>>) dst(%dma_wait3A_360 : memref<2x128xi32, #tpu.memory_space<vmem>>)
          "tpu.trace_stop"() : () -> ()
        } else {
        }
        %ne3A_189 = arith.cmpi ne, %add3A_131, %add3A_140 : i32
        %or3A_190 = arith.constant false
        %or3A_191 = arith.ori %or3A_190, %ne3A_189 : i1
        %or3A_192 = arith.constant false
        %or3A_193 = arith.ori %or3A_191, %or3A_192 : i1
        %or3A_194 = arith.ori %or3A_193, %eq3A_128 : i1
        %convert_element_type3A_195 = arith.extui %or3A_194 : i1 to i32
        %cond3A_196 = arith.constant 0 : i32
        %cond3A_197 = arith.cmpi ne, %convert_element_type3A_195, %cond3A_196 : i32
        scf.if %cond3A_197 {
        } else {
        }
        %rem3A_198 = arith.constant 2 : i32
        %rem3A_199 = arith.remui %scan3A_123, %rem3A_198 : i32
        %rem3A_200 = arith.constant 2 : i32
        %rem3A_201 = arith.remui %scan3A_124, %rem3A_200 : i32
        %dma_start3A_202 = arith.constant 0 : i32
        "tpu.trace_start"() <{level = 10 : i32, message = "ep_run_kernel"}> : () -> ()
        %dma_start3A_203 = arith.constant 0 : i32
        %dma_start3A_204 = arith.constant 0 : i32
        %dma_start3A_205 = tpu.memref_slice %run_scoped3A_8[%rem3A_201, %dma_start3A_203, %dma_start3A_204] : memref<2x256x128xf32, #tpu.memory_space<vmem>> -> memref<1x256x128xf32, #tpu.memory_space<vmem>>
        %dma_start3A_206 = tpu.memref_squeeze %dma_start3A_205 : memref<1x256x128xf32, #tpu.memory_space<vmem>> -> memref<256x128xf32, #tpu.memory_space<vmem>>
        %dma_start3A_207 = arith.constant 0 : i32
        %dma_start3A_208 = arith.constant 0 : i32
        %dma_start3A_209 = tpu.memref_slice %dma_start3A_206[%dma_start3A_207, %dma_start3A_208] : memref<256x128xf32, #tpu.memory_space<vmem>> -> memref<128x128xf32, #tpu.memory_space<vmem>>
        %dma_start3A_210 = arith.constant 0 : i32
        %dma_start3A_211 = arith.constant 0 : i32
        %dma_start3A_212 = tpu.memref_slice %run_scoped3A[%rem3A_199, %dma_start3A_210, %dma_start3A_211] : memref<2x2x128xi32, #tpu.memory_space<vmem>> -> memref<1x2x128xi32, #tpu.memory_space<vmem>>
        %dma_start3A_213 = tpu.memref_squeeze %dma_start3A_212 : memref<1x2x128xi32, #tpu.memory_space<vmem>> -> memref<2x128xi32, #tpu.memory_space<vmem>>
        %dma_start3A_214 = arith.constant 0 : i32
        %dma_start3A_215 = tpu.memref_slice %dma_start3A_213[%dma_start3A_202, %dma_start3A_214] : memref<2x128xi32, #tpu.memory_space<vmem>> -> memref<1x128xi32, #tpu.memory_space<vmem>>
        %dma_start3A_216 = tpu.memref_squeeze %dma_start3A_215 : memref<1x128xi32, #tpu.memory_space<vmem>> -> memref<128xi32, #tpu.memory_space<vmem>>
        %dma_start3A_217 = arith.constant 0 : i32
        %dma_start3A_218 = arith.constant 0 : i32
        %dma_start3A_219 = tpu.memref_slice %arg2[%dma_start3A_217, %dma_start3A_218] : memref<100000x128xf32, #tpu.memory_space<hbm>> -> memref<100000x128xf32, #tpu.memory_space<hbm>>
        tpu.enqueue_indirect_dma source(%dma_start3A_219 : memref<100000x128xf32, #tpu.memory_space<hbm>>) target(%dma_start3A_209 : memref<128x128xf32, #tpu.memory_space<vmem>>) offsets(%dma_start3A_216 : memref<128xi32, #tpu.memory_space<vmem>>) semaphore(%arg5 : memref<!tpu.dma_semaphore, #tpu.memory_space<semaphore_mem>>)
        %dma_start3A_220 = arith.constant 1 : i32
        %dma_start3A_221 = arith.constant 0 : i32
        %dma_start3A_222 = arith.constant 0 : i32
        %dma_start3A_223 = tpu.memref_slice %run_scoped3A_8[%rem3A_201, %dma_start3A_221, %dma_start3A_222] : memref<2x256x128xf32, #tpu.memory_space<vmem>> -> memref<1x256x128xf32, #tpu.memory_space<vmem>>
        %dma_start3A_224 = tpu.memref_squeeze %dma_start3A_223 : memref<1x256x128xf32, #tpu.memory_space<vmem>> -> memref<256x128xf32, #tpu.memory_space<vmem>>
        %dma_start3A_225 = arith.constant 128 : i32
        %dma_start3A_226 = arith.constant 0 : i32
        %dma_start3A_227 = tpu.memref_slice %dma_start3A_224[%dma_start3A_225, %dma_start3A_226] : memref<256x128xf32, #tpu.memory_space<vmem>> -> memref<128x128xf32, #tpu.memory_space<vmem>>
        %dma_start3A_228 = arith.constant 0 : i32
        %dma_start3A_229 = arith.constant 0 : i32
        %dma_start3A_230 = tpu.memref_slice %run_scoped3A[%rem3A_199, %dma_start3A_228, %dma_start3A_229] : memref<2x2x128xi32, #tpu.memory_space<vmem>> -> memref<1x2x128xi32, #tpu.memory_space<vmem>>
        %dma_start3A_231 = tpu.memref_squeeze %dma_start3A_230 : memref<1x2x128xi32, #tpu.memory_space<vmem>> -> memref<2x128xi32, #tpu.memory_space<vmem>>
        %dma_start3A_232 = arith.constant 0 : i32
        %dma_start3A_233 = tpu.memref_slice %dma_start3A_231[%dma_start3A_220, %dma_start3A_232] : memref<2x128xi32, #tpu.memory_space<vmem>> -> memref<1x128xi32, #tpu.memory_space<vmem>>
        %dma_start3A_234 = tpu.memref_squeeze %dma_start3A_233 : memref<1x128xi32, #tpu.memory_space<vmem>> -> memref<128xi32, #tpu.memory_space<vmem>>
        %dma_start3A_235 = arith.constant 0 : i32
        %dma_start3A_236 = arith.constant 0 : i32
        %dma_start3A_237 = tpu.memref_slice %arg2[%dma_start3A_235, %dma_start3A_236] : memref<100000x128xf32, #tpu.memory_space<hbm>> -> memref<100000x128xf32, #tpu.memory_space<hbm>>
        tpu.enqueue_indirect_dma source(%dma_start3A_237 : memref<100000x128xf32, #tpu.memory_space<hbm>>) target(%dma_start3A_227 : memref<128x128xf32, #tpu.memory_space<vmem>>) offsets(%dma_start3A_234 : memref<128xi32, #tpu.memory_space<vmem>>) semaphore(%arg5 : memref<!tpu.dma_semaphore, #tpu.memory_space<semaphore_mem>>)
        %dma_wait3A_238 = arith.constant 0 : i32
        %dma_wait3A_239 = arith.constant 0 : i32
        %dma_wait3A_240 = arith.constant 0 : i32
        %dma_wait3A_241 = tpu.memref_slice %run_scoped3A_8[%rem3A_201, %dma_wait3A_239, %dma_wait3A_240] : memref<2x256x128xf32, #tpu.memory_space<vmem>> -> memref<1x256x128xf32, #tpu.memory_space<vmem>>
        %dma_wait3A_242 = tpu.memref_squeeze %dma_wait3A_241 : memref<1x256x128xf32, #tpu.memory_space<vmem>> -> memref<256x128xf32, #tpu.memory_space<vmem>>
        %dma_wait3A_243 = arith.constant 0 : i32
        %dma_wait3A_244 = arith.constant 0 : i32
        %dma_wait3A_245 = tpu.memref_slice %dma_wait3A_242[%dma_wait3A_243, %dma_wait3A_244] : memref<256x128xf32, #tpu.memory_space<vmem>> -> memref<128x128xf32, #tpu.memory_space<vmem>>
        %dma_wait3A_246 = arith.constant 0 : i32
        %dma_wait3A_247 = arith.constant 0 : i32
        %dma_wait3A_248 = tpu.memref_slice %run_scoped3A[%rem3A_199, %dma_wait3A_246, %dma_wait3A_247] : memref<2x2x128xi32, #tpu.memory_space<vmem>> -> memref<1x2x128xi32, #tpu.memory_space<vmem>>
        %dma_wait3A_249 = tpu.memref_squeeze %dma_wait3A_248 : memref<1x2x128xi32, #tpu.memory_space<vmem>> -> memref<2x128xi32, #tpu.memory_space<vmem>>
        %dma_wait3A_250 = arith.constant 0 : i32
        %dma_wait3A_251 = tpu.memref_slice %dma_wait3A_249[%dma_wait3A_238, %dma_wait3A_250] : memref<2x128xi32, #tpu.memory_space<vmem>> -> memref<1x128xi32, #tpu.memory_space<vmem>>
        %dma_wait3A_252 = tpu.memref_squeeze %dma_wait3A_251 : memref<1x128xi32, #tpu.memory_space<vmem>> -> memref<128xi32, #tpu.memory_space<vmem>>
        %dma_wait3A_253 = arith.constant 0 : i32
        %dma_wait3A_254 = arith.constant 0 : i32
        %dma_wait3A_255 = tpu.memref_slice %arg2[%dma_wait3A_253, %dma_wait3A_254] : memref<100000x128xf32, #tpu.memory_space<hbm>> -> memref<100000x128xf32, #tpu.memory_space<hbm>>
        tpu.wait_indirect_dma semaphore(%arg5 : memref<!tpu.dma_semaphore, #tpu.memory_space<semaphore_mem>>) src(%dma_wait3A_255 : memref<100000x128xf32, #tpu.memory_space<hbm>>) dst(%dma_wait3A_245 : memref<128x128xf32, #tpu.memory_space<vmem>>)
        %dma_wait3A_256 = arith.constant 1 : i32
        %dma_wait3A_257 = arith.constant 0 : i32
        %dma_wait3A_258 = arith.constant 0 : i32
        %dma_wait3A_259 = tpu.memref_slice %run_scoped3A_8[%rem3A_201, %dma_wait3A_257, %dma_wait3A_258] : memref<2x256x128xf32, #tpu.memory_space<vmem>> -> memref<1x256x128xf32, #tpu.memory_space<vmem>>
        %dma_wait3A_260 = tpu.memref_squeeze %dma_wait3A_259 : memref<1x256x128xf32, #tpu.memory_space<vmem>> -> memref<256x128xf32, #tpu.memory_space<vmem>>
        %dma_wait3A_261 = arith.constant 128 : i32
        %dma_wait3A_262 = arith.constant 0 : i32
        %dma_wait3A_263 = tpu.memref_slice %dma_wait3A_260[%dma_wait3A_261, %dma_wait3A_262] : memref<256x128xf32, #tpu.memory_space<vmem>> -> memref<128x128xf32, #tpu.memory_space<vmem>>
        %dma_wait3A_264 = arith.constant 0 : i32
        %dma_wait3A_265 = arith.constant 0 : i32
        %dma_wait3A_266 = tpu.memref_slice %run_scoped3A[%rem3A_199, %dma_wait3A_264, %dma_wait3A_265] : memref<2x2x128xi32, #tpu.memory_space<vmem>> -> memref<1x2x128xi32, #tpu.memory_space<vmem>>
        %dma_wait3A_267 = tpu.memref_squeeze %dma_wait3A_266 : memref<1x2x128xi32, #tpu.memory_space<vmem>> -> memref<2x128xi32, #tpu.memory_space<vmem>>
        %dma_wait3A_268 = arith.constant 0 : i32
        %dma_wait3A_269 = tpu.memref_slice %dma_wait3A_267[%dma_wait3A_256, %dma_wait3A_268] : memref<2x128xi32, #tpu.memory_space<vmem>> -> memref<1x128xi32, #tpu.memory_space<vmem>>
        %dma_wait3A_270 = tpu.memref_squeeze %dma_wait3A_269 : memref<1x128xi32, #tpu.memory_space<vmem>> -> memref<128xi32, #tpu.memory_space<vmem>>
        %dma_wait3A_271 = arith.constant 0 : i32
        %dma_wait3A_272 = arith.constant 0 : i32
        %dma_wait3A_273 = tpu.memref_slice %arg2[%dma_wait3A_271, %dma_wait3A_272] : memref<100000x128xf32, #tpu.memory_space<hbm>> -> memref<100000x128xf32, #tpu.memory_space<hbm>>
        tpu.wait_indirect_dma semaphore(%arg5 : memref<!tpu.dma_semaphore, #tpu.memory_space<semaphore_mem>>) src(%dma_wait3A_273 : memref<100000x128xf32, #tpu.memory_space<hbm>>) dst(%dma_wait3A_263 : memref<128x128xf32, #tpu.memory_space<vmem>>)
        "tpu.trace_stop"() : () -> ()
        %ne3A_274 = arith.cmpi ne, %add3A_131, %add3A_149 : i32
        %or3A_275 = arith.constant false
        %or3A_276 = arith.ori %or3A_275, %ne3A_274 : i1
        %or3A_277 = arith.constant false
        %or3A_278 = arith.ori %or3A_276, %or3A_277 : i1
        %or3A_279 = arith.ori %or3A_278, %eq3A_130 : i1
        %convert_element_type3A_280 = arith.extui %or3A_279 : i1 to i32
        %cond3A_281 = arith.constant 0 : i32
        %cond3A_282 = arith.cmpi ne, %convert_element_type3A_280, %cond3A_281 : i32
        scf.if %cond3A_282 {
        } else {
        }
        %and3A_283 = arith.constant false
        %and3A_284 = arith.andi %or3A_279, %and3A_283 : i1
        %ne3A_285 = arith.cmpi ne, %add3A_131, %add3A_149 : i32
        %or3A_286 = arith.constant false
        %or3A_287 = arith.ori %or3A_286, %ne3A_285 : i1
        %or3A_288 = arith.constant false
        %or3A_289 = arith.ori %or3A_287, %or3A_288 : i1
        %or3A_290 = arith.ori %or3A_289, %eq3A_130 : i1
        %convert_element_type3A_291 = arith.extui %or3A_290 : i1 to i32
        %cond3A_292 = arith.constant 0 : i32
        %cond3A_293 = arith.cmpi ne, %convert_element_type3A_291, %cond3A_292 : i32
        scf.if %cond3A_293 {
          "tpu.trace_start"() <{level = 10 : i32, message = "ep_copy_out"}> : () -> ()
          %rem3A_345 = arith.constant 2 : i32
          %rem3A_346 = arith.remui %scan3A_124, %rem3A_345 : i32
          %mul3A_347 = arith.constant 256 : i32
          %mul3A_348 = arith.muli %mul3A_347, %add3A_131 : i32
          %dma_start3A_349 = arith.constant 0 : i32
          %dma_start3A_350 = arith.constant 0 : i32
          %dma_start3A_351 = tpu.memref_slice %run_scoped3A_8[%rem3A_346, %dma_start3A_349, %dma_start3A_350] : memref<2x256x128xf32, #tpu.memory_space<vmem>> -> memref<1x256x128xf32, #tpu.memory_space<vmem>>
          %dma_start3A_352 = tpu.memref_squeeze %dma_start3A_351 : memref<1x256x128xf32, #tpu.memory_space<vmem>> -> memref<256x128xf32, #tpu.memory_space<vmem>>
          %dma_start3A_353 = arith.constant 0 : i32
          %dma_start3A_354 = tpu.memref_slice %arg4[%mul3A_348, %dma_start3A_353] : memref<819200x128xf32, #tpu.memory_space<hbm>> -> memref<256x128xf32, #tpu.memory_space<hbm>>
          %dma_start3A_355 = tpu.memref_slice %run_scoped3A_9[%rem3A_346] : memref<2x!tpu.dma_semaphore, #tpu.memory_space<semaphore_mem>> -> memref<1x!tpu.dma_semaphore, #tpu.memory_space<semaphore_mem>>
          %dma_start3A_356 = tpu.memref_squeeze %dma_start3A_355 : memref<1x!tpu.dma_semaphore, #tpu.memory_space<semaphore_mem>> -> memref<!tpu.dma_semaphore, #tpu.memory_space<semaphore_mem>>
          %dma_start3A_357 = arith.constant 0 : i32
          %dma_start3A_358 = tpu.memref_slice %arg4[%mul3A_348, %dma_start3A_357] : memref<819200x128xf32, #tpu.memory_space<hbm>> -> memref<256x128xf32, #tpu.memory_space<hbm>>
          %dma_start3A_359 = arith.constant 0 : i32
          %dma_start3A_360 = arith.constant 0 : i32
          %dma_start3A_361 = tpu.memref_slice %run_scoped3A_8[%rem3A_346, %dma_start3A_359, %dma_start3A_360] : memref<2x256x128xf32, #tpu.memory_space<vmem>> -> memref<1x256x128xf32, #tpu.memory_space<vmem>>
          %dma_start3A_362 = tpu.memref_squeeze %dma_start3A_361 : memref<1x256x128xf32, #tpu.memory_space<vmem>> -> memref<256x128xf32, #tpu.memory_space<vmem>>
          tpu.enqueue_dma source(%dma_start3A_362 : memref<256x128xf32, #tpu.memory_space<vmem>>) target(%dma_start3A_358 : memref<256x128xf32, #tpu.memory_space<hbm>>) target_semaphore(%dma_start3A_356 : memref<!tpu.dma_semaphore, #tpu.memory_space<semaphore_mem>>)
          "tpu.trace_stop"() : () -> ()
        } else {
        }
        %and3A_294 = arith.constant true
        %and3A_295 = arith.andi %or3A_290, %and3A_294 : i1
        %add3A_296 = arith.constant 1 : i32
        %add3A_297 = arith.addi %scan3A_124, %add3A_296 : i32
        %select_n3A_298 = arith.select %and3A_295, %add3A_297, %scan3A_124 : i32
        %ne3A_299 = arith.cmpi ne, %add3A_131, %add3A_140 : i32
        %or3A_300 = arith.constant false
        %or3A_301 = arith.ori %or3A_300, %ne3A_299 : i1
        %or3A_302 = arith.constant false
        %or3A_303 = arith.ori %or3A_301, %or3A_302 : i1
        %not3A_304 = arith.constant true
        %not3A_305 = arith.xori %eq3A_128, %not3A_304 : i1
        %and3A_306 = arith.andi %or3A_303, %not3A_305 : i1
        %convert_element_type3A_307 = arith.extui %and3A_306 : i1 to i32
        %cond3A_308 = arith.constant 0 : i32
        %cond3A_309 = arith.cmpi ne, %convert_element_type3A_307, %cond3A_308 : i32
        scf.if %cond3A_309 {
        } else {
        }
        %and3A_310 = arith.constant false
        %and3A_311 = arith.andi %and3A_306, %and3A_310 : i1
        %ne3A_312 = arith.cmpi ne, %add3A_131, %add3A_140 : i32
        %or3A_313 = arith.constant false
        %or3A_314 = arith.ori %or3A_313, %ne3A_312 : i1
        %or3A_315 = arith.constant false
        %or3A_316 = arith.ori %or3A_314, %or3A_315 : i1
        %not3A_317 = arith.constant true
        %not3A_318 = arith.xori %eq3A_128, %not3A_317 : i1
        %and3A_319 = arith.andi %or3A_316, %not3A_318 : i1
        %convert_element_type3A_320 = arith.extui %and3A_319 : i1 to i32
        %cond3A_321 = arith.constant 0 : i32
        %cond3A_322 = arith.cmpi ne, %convert_element_type3A_320, %cond3A_321 : i32
        scf.if %cond3A_322 {
          "tpu.trace_start"() <{level = 10 : i32, message = "ep_wait_out"}> : () -> ()
          %rem3A_345 = arith.constant 2 : i32
          %rem3A_346 = arith.remui %scan3A_125, %rem3A_345 : i32
          %mul3A_347 = arith.constant 256 : i32
          %mul3A_348 = arith.muli %mul3A_347, %add3A_140 : i32
          %dma_wait3A_349 = arith.constant 0 : i32
          %dma_wait3A_350 = arith.constant 0 : i32
          %dma_wait3A_351 = tpu.memref_slice %run_scoped3A_8[%rem3A_346, %dma_wait3A_349, %dma_wait3A_350] : memref<2x256x128xf32, #tpu.memory_space<vmem>> -> memref<1x256x128xf32, #tpu.memory_space<vmem>>
          %dma_wait3A_352 = tpu.memref_squeeze %dma_wait3A_351 : memref<1x256x128xf32, #tpu.memory_space<vmem>> -> memref<256x128xf32, #tpu.memory_space<vmem>>
          %dma_wait3A_353 = arith.constant 0 : i32
          %dma_wait3A_354 = tpu.memref_slice %arg4[%mul3A_348, %dma_wait3A_353] : memref<819200x128xf32, #tpu.memory_space<hbm>> -> memref<256x128xf32, #tpu.memory_space<hbm>>
          %dma_wait3A_355 = tpu.memref_slice %run_scoped3A_9[%rem3A_346] : memref<2x!tpu.dma_semaphore, #tpu.memory_space<semaphore_mem>> -> memref<1x!tpu.dma_semaphore, #tpu.memory_space<semaphore_mem>>
          %dma_wait3A_356 = tpu.memref_squeeze %dma_wait3A_355 : memref<1x!tpu.dma_semaphore, #tpu.memory_space<semaphore_mem>> -> memref<!tpu.dma_semaphore, #tpu.memory_space<semaphore_mem>>
          %dma_wait3A_357 = arith.constant 0 : i32
          %dma_wait3A_358 = tpu.memref_slice %arg4[%mul3A_348, %dma_wait3A_357] : memref<819200x128xf32, #tpu.memory_space<hbm>> -> memref<256x128xf32, #tpu.memory_space<hbm>>
          %dma_wait3A_359 = arith.constant 0 : i32
          %dma_wait3A_360 = arith.constant 0 : i32
          %dma_wait3A_361 = tpu.memref_slice %run_scoped3A_8[%rem3A_346, %dma_wait3A_359, %dma_wait3A_360] : memref<2x256x128xf32, #tpu.memory_space<vmem>> -> memref<1x256x128xf32, #tpu.memory_space<vmem>>
          %dma_wait3A_362 = tpu.memref_squeeze %dma_wait3A_361 : memref<1x256x128xf32, #tpu.memory_space<vmem>> -> memref<256x128xf32, #tpu.memory_space<vmem>>
          tpu.wait_dma2 semaphore(%dma_wait3A_356 : memref<!tpu.dma_semaphore, #tpu.memory_space<semaphore_mem>>) src(%dma_wait3A_362 : memref<256x128xf32, #tpu.memory_space<vmem>>) dst(%dma_wait3A_358 : memref<256x128xf32, #tpu.memory_space<hbm>>)
          "tpu.trace_stop"() : () -> ()
        } else {
        }
        %and3A_323 = arith.constant true
        %and3A_324 = arith.andi %and3A_319, %and3A_323 : i1
        %add3A_325 = arith.constant 1 : i32
        %add3A_326 = arith.addi %scan3A_125, %add3A_325 : i32
        %select_n3A_327 = arith.select %and3A_324, %add3A_326, %scan3A_125 : i32
        %ne3A_328 = arith.cmpi ne, %add3A_131, %add3A_149 : i32
        %or3A_329 = arith.constant false
        %or3A_330 = arith.ori %or3A_329, %ne3A_328 : i1
        %or3A_331 = arith.constant false
        %or3A_332 = arith.ori %or3A_330, %or3A_331 : i1
        %or3A_333 = arith.ori %or3A_332, %eq3A_130 : i1
        %add3A_334 = arith.constant 1 : i32
        %add3A_335 = arith.addi %scan3A_123, %add3A_334 : i32
        %select_n3A_336 = arith.select %or3A_333, %add3A_335, %scan3A_123 : i32
        %add3A_337 = arith.constant 1 : i32
        %add3A_338 = arith.addi %scan3A_126, %add3A_337 : i32
        %select_n3A_339 = arith.constant true
        %select_n3A_340 = arith.select %select_n3A_339, %add3A_338, %scan3A_126 : i32
        %eq3A_341 = arith.constant 100 : i32
        %eq3A_342 = arith.cmpi eq, %select_n3A_340, %eq3A_341 : i32
        %select_n3A_343 = arith.constant 0 : i32
        %select_n3A_344 = arith.select %eq3A_342, %select_n3A_343, %select_n3A_340 : i32
        scf.yield %select_n3A_169, %select_n3A_336, %select_n3A_298, %select_n3A_327, %select_n3A_344 : i32, i32, i32, i32, i32
      }
      %scan3A_68 = arith.constant 100 : i32
      %sub3A = arith.constant 1 : i32
      %sub3A_69 = arith.subi %scan3A_67#4, %sub3A : i32
      %select_n3A_70 = arith.constant true
      %select_n3A_71 = arith.select %select_n3A_70, %sub3A_69, %scan3A_67#4 : i32
      %eq3A_72 = arith.constant -1 : i32
      %eq3A_73 = arith.cmpi eq, %select_n3A_71, %eq3A_72 : i32
      %select_n3A_74 = arith.constant 99 : i32
      %select_n3A_75 = arith.select %eq3A_73, %select_n3A_74, %select_n3A_71 : i32
      %add3A_76 = arith.addi %select_n3A_75, %mul3A_6 : i32
      %sub3A_77 = arith.constant 1 : i32
      %sub3A_78 = arith.subi %select_n3A_75, %sub3A_77 : i32
      %select_n3A_79 = arith.constant true
      %select_n3A_80 = arith.select %select_n3A_79, %sub3A_78, %select_n3A_75 : i32
      %eq3A_81 = arith.constant -1 : i32
      %eq3A_82 = arith.cmpi eq, %select_n3A_80, %eq3A_81 : i32
      %select_n3A_83 = arith.constant 99 : i32
      %select_n3A_84 = arith.select %eq3A_82, %select_n3A_83, %select_n3A_80 : i32
      %add3A_85 = arith.addi %select_n3A_84, %mul3A_6 : i32
      %add3A_86 = arith.constant 1 : i32
      %add3A_87 = arith.addi %select_n3A_75, %add3A_86 : i32
      %select_n3A_88 = arith.constant true
      %select_n3A_89 = arith.select %select_n3A_88, %add3A_87, %select_n3A_75 : i32
      %eq3A_90 = arith.constant 100 : i32
      %eq3A_91 = arith.cmpi eq, %select_n3A_89, %eq3A_90 : i32
      %select_n3A_92 = arith.constant 0 : i32
      %select_n3A_93 = arith.select %eq3A_91, %select_n3A_92, %select_n3A_89 : i32
      %add3A_94 = arith.addi %select_n3A_93, %mul3A_6 : i32
      %add3A_95 = arith.constant 1 : i32
      %add3A_96 = arith.addi %select_n3A_93, %add3A_95 : i32
      %select_n3A_97 = arith.constant true
      %select_n3A_98 = arith.select %select_n3A_97, %add3A_96, %select_n3A_93 : i32
      %eq3A_99 = arith.constant 100 : i32
      %eq3A_100 = arith.cmpi eq, %select_n3A_98, %eq3A_99 : i32
      %select_n3A_101 = arith.constant 0 : i32
      %select_n3A_102 = arith.select %eq3A_100, %select_n3A_101, %select_n3A_98 : i32
      %add3A_103 = arith.addi %select_n3A_102, %mul3A_6 : i32
      "tpu.trace_start"() <{level = 10 : i32, message = "ep_finalize"}> : () -> ()
      %rem3A_104 = arith.constant 2 : i32
      %rem3A_105 = arith.remui %scan3A_67#3, %rem3A_104 : i32
      %mul3A_106 = arith.constant 256 : i32
      %mul3A_107 = arith.muli %mul3A_106, %add3A_76 : i32
      %dma_wait3A = arith.constant 0 : i32
      %dma_wait3A_108 = arith.constant 0 : i32
      %dma_wait3A_109 = tpu.memref_slice %run_scoped3A_8[%rem3A_105, %dma_wait3A, %dma_wait3A_108] : memref<2x256x128xf32, #tpu.memory_space<vmem>> -> memref<1x256x128xf32, #tpu.memory_space<vmem>>
      %dma_wait3A_110 = tpu.memref_squeeze %dma_wait3A_109 : memref<1x256x128xf32, #tpu.memory_space<vmem>> -> memref<256x128xf32, #tpu.memory_space<vmem>>
      %dma_wait3A_111 = arith.constant 0 : i32
      %dma_wait3A_112 = tpu.memref_slice %arg4[%mul3A_107, %dma_wait3A_111] : memref<819200x128xf32, #tpu.memory_space<hbm>> -> memref<256x128xf32, #tpu.memory_space<hbm>>
      %dma_wait3A_113 = tpu.memref_slice %run_scoped3A_9[%rem3A_105] : memref<2x!tpu.dma_semaphore, #tpu.memory_space<semaphore_mem>> -> memref<1x!tpu.dma_semaphore, #tpu.memory_space<semaphore_mem>>
      %dma_wait3A_114 = tpu.memref_squeeze %dma_wait3A_113 : memref<1x!tpu.dma_semaphore, #tpu.memory_space<semaphore_mem>> -> memref<!tpu.dma_semaphore, #tpu.memory_space<semaphore_mem>>
      %dma_wait3A_115 = arith.constant 0 : i32
      %dma_wait3A_116 = tpu.memref_slice %arg4[%mul3A_107, %dma_wait3A_115] : memref<819200x128xf32, #tpu.memory_space<hbm>> -> memref<256x128xf32, #tpu.memory_space<hbm>>
      %dma_wait3A_117 = arith.constant 0 : i32
      %dma_wait3A_118 = arith.constant 0 : i32
      %dma_wait3A_119 = tpu.memref_slice %run_scoped3A_8[%rem3A_105, %dma_wait3A_117, %dma_wait3A_118] : memref<2x256x128xf32, #tpu.memory_space<vmem>> -> memref<1x256x128xf32, #tpu.memory_space<vmem>>
      %dma_wait3A_120 = tpu.memref_squeeze %dma_wait3A_119 : memref<1x256x128xf32, #tpu.memory_space<vmem>> -> memref<256x128xf32, #tpu.memory_space<vmem>>
      tpu.wait_dma2 semaphore(%dma_wait3A_114 : memref<!tpu.dma_semaphore, #tpu.memory_space<semaphore_mem>>) src(%dma_wait3A_120 : memref<256x128xf32, #tpu.memory_space<vmem>>) dst(%dma_wait3A_116 : memref<256x128xf32, #tpu.memory_space<hbm>>)
      "tpu.trace_stop"() : () -> ()
      tpu.yield
    }) : () -> ()
    return
  }
}

#map = affine_map<(d0, d1) -> (0, 0)>
module attributes {stable_mosaic.version = 14 : i64} {
  func.func @k(%arg0: i32, %arg1: i32, %arg2: memref<100000x128xf32, #tpu.memory_space<hbm>>, %arg3: memref<6400x128xi32, #tpu.memory_space<hbm>>, %arg4: memref<819200x128xf32, #tpu.memory_space<hbm>>, %arg5: memref<!tpu.dma_semaphore, #tpu.memory_space<semaphore_mem>>) attributes {dimension_semantics = [#tpu.dimension_semantics<core_parallel>, #tpu.dimension_semantics<subcore_parallel>], iteration_bounds = array<i64: 2, 16>, scalar_prefetch = 0 : i64, scratch_operands = 1 : i64, tpu.core_type = #tpu.core_type<sc_vector_subcore>, window_params = [{transform_indices = #map}, {transform_indices = #map}, {transform_indices = #map}]} {
    %mul3A = arith.constant 1 : i32
    %mul3A_0 = arith.muli %arg1, %mul3A : i32
    %add3A = arith.constant 0 : i32
    %add3A_1 = arith.addi %add3A, %mul3A_0 : i32
    %mul3A_2 = arith.constant 16 : i32
    %mul3A_3 = arith.muli %arg0, %mul3A_2 : i32
    %add3A_4 = arith.addi %add3A_1, %mul3A_3 : i32
    %mul3A_5 = arith.constant 100 : i32
    %mul3A_6 = arith.muli %add3A_4, %mul3A_5 : i32
    "tpu.region"() ({
      %run_scoped3A = memref.alloca() : memref<2x2x128xi32, #tpu.memory_space<vmem>>
      %run_scoped3A_7 = tpu.sem_alloc : memref<2x!tpu.dma_semaphore, #tpu.memory_space<semaphore_mem>>
      %run_scoped3A_8 = memref.alloca() : memref<2x256x128xf32, #tpu.memory_space<vmem>>
      %run_scoped3A_9 = tpu.sem_alloc : memref<2x!tpu.dma_semaphore, #tpu.memory_space<semaphore_mem>>
      %add3A_10 = arith.constant 0 : i32
      %add3A_11 = arith.addi %add3A_10, %mul3A_6 : i32
      %select_n3A = arith.constant true
      %select_n3A_12 = arith.constant 0 : i32
      %select_n3A_13 = arith.constant -1 : i32
      %select_n3A_14 = arith.select %select_n3A, %select_n3A_13, %select_n3A_12 : i32
      %eq3A = arith.constant -1 : i32
      %eq3A_15 = arith.cmpi eq, %select_n3A_14, %eq3A : i32
      %select_n3A_16 = arith.constant 99 : i32
      %select_n3A_17 = arith.select %eq3A_15, %select_n3A_16, %select_n3A_14 : i32
      %add3A_18 = arith.addi %select_n3A_17, %mul3A_6 : i32
      %select_n3A_19 = arith.constant true
      %select_n3A_20 = arith.constant 0 : i32
      %select_n3A_21 = arith.constant 1 : i32
      %select_n3A_22 = arith.select %select_n3A_19, %select_n3A_21, %select_n3A_20 : i32
      %eq3A_23 = arith.constant 100 : i32
      %eq3A_24 = arith.cmpi eq, %select_n3A_22, %eq3A_23 : i32
      %select_n3A_25 = arith.constant 0 : i32
      %select_n3A_26 = arith.select %eq3A_24, %select_n3A_25, %select_n3A_22 : i32
      %add3A_27 = arith.addi %select_n3A_26, %mul3A_6 : i32
      %add3A_28 = arith.constant 1 : i32
      %add3A_29 = arith.addi %select_n3A_26, %add3A_28 : i32
      %select_n3A_30 = arith.constant true
      %select_n3A_31 = arith.select %select_n3A_30, %add3A_29, %select_n3A_26 : i32
      %eq3A_32 = arith.constant 100 : i32
      %eq3A_33 = arith.cmpi eq, %select_n3A_31, %eq3A_32 : i32
      %select_n3A_34 = arith.constant 0 : i32
      %select_n3A_35 = arith.select %eq3A_33, %select_n3A_34, %select_n3A_31 : i32
      %add3A_36 = arith.addi %select_n3A_35, %mul3A_6 : i32
      "tpu.trace_start"() <{level = 10 : i32, message = "ep_initialize_0"}> : () -> ()
      %rem3A = arith.constant 0 : i32
      %rem3A_37 = arith.constant 2 : i32
      %rem3A_38 = arith.remui %rem3A, %rem3A_37 : i32
      %mul3A_39 = arith.constant 2 : i32
      %mul3A_40 = arith.muli %mul3A_39, %add3A_11 : i32
      %dma_start3A = arith.constant 0 : i32
      %dma_start3A_41 = arith.constant 0 : i32
      %dma_start3A_42 = tpu.memref_slice %run_scoped3A[%rem3A_38, %dma_start3A, %dma_start3A_41] : memref<2x2x128xi32, #tpu.memory_space<vmem>> -> memref<1x2x128xi32, #tpu.memory_space<vmem>>
      %dma_start3A_43 = tpu.memref_squeeze %dma_start3A_42 : memref<1x2x128xi32, #tpu.memory_space<vmem>> -> memref<2x128xi32, #tpu.memory_space<vmem>>
      %dma_start3A_44 = arith.constant 0 : i32
      %dma_start3A_45 = tpu.memref_slice %arg3[%mul3A_40, %dma_start3A_44] : memref<6400x128xi32, #tpu.memory_space<hbm>> -> memref<2x128xi32, #tpu.memory_space<hbm>>
      %dma_start3A_46 = tpu.memref_slice %run_scoped3A_7[%rem3A_38] : memref<2x!tpu.dma_semaphore, #tpu.memory_space<semaphore_mem>> -> memref<1x!tpu.dma_semaphore, #tpu.memory_space<semaphore_mem>>
      %dma_start3A_47 = tpu.memref_squeeze %dma_start3A_46 : memref<1x!tpu.dma_semaphore, #tpu.memory_space<semaphore_mem>> -> memref<!tpu.dma_semaphore, #tpu.memory_space<semaphore_mem>>
      %dma_start3A_48 = arith.constant 0 : i32
      %dma_start3A_49 = arith.constant 0 : i32
      %dma_start3A_50 = tpu.memref_slice %run_scoped3A[%rem3A_38, %dma_start3A_48, %dma_start3A_49] : memref<2x2x128xi32, #tpu.memory_space<vmem>> -> memref<1x2x128xi32, #tpu.memory_space<vmem>>
      %dma_start3A_51 = tpu.memref_squeeze %dma_start3A_50 : memref<1x2x128xi32, #tpu.memory_space<vmem>> -> memref<2x128xi32, #tpu.memory_space<vmem>>
      %dma_start3A_52 = arith.constant 0 : i32
      %dma_start3A_53 = tpu.memref_slice %arg3[%mul3A_40, %dma_start3A_52] : memref<6400x128xi32, #tpu.memory_space<hbm>> -> memref<2x128xi32, #tpu.memory_space<hbm>>
      tpu.enqueue_dma source(%dma_start3A_53 : memref<2x128xi32, #tpu.memory_space<hbm>>) target(%dma_start3A_51 : memref<2x128xi32, #tpu.memory_space<vmem>>) target_semaphore(%dma_start3A_47 : memref<!tpu.dma_semaphore, #tpu.memory_space<semaphore_mem>>)
      %add3A_54 = arith.constant 0 : i32
      %add3A_55 = arith.constant 1 : i32
      %add3A_56 = arith.addi %add3A_54, %add3A_55 : i32
      %select_n3A_57 = arith.constant true
      %select_n3A_58 = arith.constant 0 : i32
      %select_n3A_59 = arith.select %select_n3A_57, %add3A_56, %select_n3A_58 : i32
      "tpu.trace_stop"() : () -> ()
      %scan3A = arith.constant 0 : i32
      %scan3A_60 = arith.constant 0 : i32
      %scan3A_61 = arith.constant 0 : i32
      %scan3A_62 = arith.constant 0 : i32
      %scan3A_63 = arith.constant 0 : i32
      %scan3A_64 = arith.constant 100 : i32
      %scan3A_65 = arith.addi %scan3A_63, %scan3A_64 : i32
      %scan3A_66 = arith.constant 1 : i32
      %scan3A_67:5 = scf.for %scan3A_121 = %scan3A_63 to %scan3A_65 step %scan3A_66 iter_args(%scan3A_122 = %select_n3A_59, %scan3A_123 = %scan3A, %scan3A_124 = %scan3A_60, %scan3A_125 = %scan3A_61, %scan3A_126 = %scan3A_62) -> (i32, i32, i32, i32, i32)  : i32 {
        %eq3A_127 = arith.constant 0 : i32
        %eq3A_128 = arith.cmpi eq, %scan3A_121, %eq3A_127 : i32
        %eq3A_129 = arith.constant 99 : i32
        %eq3A_130 = arith.cmpi eq, %scan3A_121, %eq3A_129 : i32
        %add3A_131 = arith.addi %scan3A_126, %mul3A_6 : i32
        %sub3A_132 = arith.constant 1 : i32
        %sub3A_133 = arith.subi %scan3A_126, %sub3A_132 : i32
        %select_n3A_134 = arith.constant true
        %select_n3A_135 = arith.select %select_n3A_134, %sub3A_133, %scan3A_126 : i32
        %eq3A_136 = arith.constant -1 : i32
        %eq3A_137 = arith.cmpi eq, %select_n3A_135, %eq3A_136 : i32
        %select_n3A_138 = arith.constant 99 : i32
        %select_n3A_139 = arith.select %eq3A_137, %select_n3A_138, %select_n3A_135 : i32
        %add3A_140 = arith.addi %select_n3A_139, %mul3A_6 : i32
        %add3A_141 = arith.constant 1 : i32
        %add3A_142 = arith.addi %scan3A_126, %add3A_141 : i32
        %select_n3A_143 = arith.constant true
        %select_n3A_144 = arith.select %select_n3A_143, %add3A_142, %scan3A_126 : i32
        %eq3A_145 = arith.constant 100 : i32
        %eq3A_146 = arith.cmpi eq, %select_n3A_144, %eq3A_145 : i32
        %select_n3A_147 = arith.constant 0 : i32
        %select_n3A_148 = arith.select %eq3A_146, %select_n3A_147, %select_n3A_144 : i32
        %add3A_149 = arith.addi %select_n3A_148, %mul3A_6 : i32
        %add3A_150 = arith.constant 1 : i32
        %add3A_151 = arith.addi %select_n3A_148, %add3A_150 : i32
        %select_n3A_152 = arith.constant true
        %select_n3A_153 = arith.select %select_n3A_152, %add3A_151, %select_n3A_148 : i32
        %eq3A_154 = arith.constant 100 : i32
        %eq3A_155 = arith.cmpi eq, %select_n3A_153, %eq3A_154 : i32
        %select_n3A_156 = arith.constant 0 : i32
        %select_n3A_157 = arith.select %eq3A_155, %select_n3A_156, %select_n3A_153 : i32
        %add3A_158 = arith.addi %select_n3A_157, %mul3A_6 : i32
        %ne3A = arith.cmpi ne, %add3A_131, %add3A_149 : i32
        %or3A = arith.constant false
        %or3A_159 = arith.ori %or3A, %ne3A : i1
        %or3A_160 = arith.constant false
        %or3A_161 = arith.ori %or3A_159, %or3A_160 : i1
        %ge3A = arith.constant 99 : i32
        %ge3A_162 = arith.cmpi sge, %scan3A_121, %ge3A : i32
        %not3A = arith.constant true
        %not3A_163 = arith.xori %ge3A_162, %not3A : i1
        %and3A = arith.andi %or3A_161, %not3A_163 : i1
        %convert_element_type3A = arith.extui %and3A : i1 to i32
        %cond3A = arith.constant 0 : i32
        %cond3A_164 = arith.cmpi ne, %convert_element_type3A, %cond3A : i32
        scf.if %cond3A_164 {
          "tpu.trace_start"() <{level = 10 : i32, message = "ep_copy_in"}> : () -> ()
          %rem3A_345 = arith.constant 2 : i32
          %rem3A_346 = arith.remui %scan3A_122, %rem3A_345 : i32
          %mul3A_347 = arith.constant 2 : i32
          %mul3A_348 = arith.muli %mul3A_347, %add3A_149 : i32
          %dma_start3A_349 = arith.constant 0 : i32
          %dma_start3A_350 = arith.constant 0 : i32
          %dma_start3A_351 = tpu.memref_slice %run_scoped3A[%rem3A_346, %dma_start3A_349, %dma_start3A_350] : memref<2x2x128xi32, #tpu.memory_space<vmem>> -> memref<1x2x128xi32, #tpu.memory_space<vmem>>
          %dma_start3A_352 = tpu.memref_squeeze %dma_start3A_351 : memref<1x2x128xi32, #tpu.memory_space<vmem>> -> memref<2x128xi32, #tpu.memory_space<vmem>>
          %dma_start3A_353 = arith.constant 0 : i32
          %dma_start3A_354 = tpu.memref_slice %arg3[%mul3A_348, %dma_start3A_353] : memref<6400x128xi32, #tpu.memory_space<hbm>> -> memref<2x128xi32, #tpu.memory_space<hbm>>
          %dma_start3A_355 = tpu.memref_slice %run_scoped3A_7[%rem3A_346] : memref<2x!tpu.dma_semaphore, #tpu.memory_space<semaphore_mem>> -> memref<1x!tpu.dma_semaphore, #tpu.memory_space<semaphore_mem>>
          %dma_start3A_356 = tpu.memref_squeeze %dma_start3A_355 : memref<1x!tpu.dma_semaphore, #tpu.memory_space<semaphore_mem>> -> memref<!tpu.dma_semaphore, #tpu.memory_space<semaphore_mem>>
          %dma_start3A_357 = arith.constant 0 : i32
          %dma_start3A_358 = arith.constant 0 : i32
          %dma_start3A_359 = tpu.memref_slice %run_scoped3A[%rem3A_346, %dma_start3A_357, %dma_start3A_358] : memref<2x2x128xi32, #tpu.memory_space<vmem>> -> memref<1x2x128xi32, #tpu.memory_space<vmem>>
          %dma_start3A_360 = tpu.memref_squeeze %dma_start3A_359 : memref<1x2x128xi32, #tpu.memory_space<vmem>> -> memref<2x128xi32, #tpu.memory_space<vmem>>
          %dma_start3A_361 = arith.constant 0 : i32
          %dma_start3A_362 = tpu.memref_slice %arg3[%mul3A_348, %dma_start3A_361] : memref<6400x128xi32, #tpu.memory_space<hbm>> -> memref<2x128xi32, #tpu.memory_space<hbm>>
          tpu.enqueue_dma source(%dma_start3A_362 : memref<2x128xi32, #tpu.memory_space<hbm>>) target(%dma_start3A_360 : memref<2x128xi32, #tpu.memory_space<vmem>>) target_semaphore(%dma_start3A_356 : memref<!tpu.dma_semaphore, #tpu.memory_space<semaphore_mem>>)
          "tpu.trace_stop"() : () -> ()
        } else {
        }
        %and3A_165 = arith.constant true
        %and3A_166 = arith.andi %and3A, %and3A_165 : i1
        %add3A_167 = arith.constant 1 : i32
        %add3A_168 = arith.addi %scan3A_122, %add3A_167 : i32
        %select_n3A_169 = arith.select %and3A_166, %add3A_168, %scan3A_122 : i32
        %ne3A_170 = arith.cmpi ne, %add3A_131, %add3A_149 : i32
        %or3A_171 = arith.constant false
        %or3A_172 = arith.ori %or3A_171, %ne3A_170 : i1
        %or3A_173 = arith.constant false
        %or3A_174 = arith.ori %or3A_172, %or3A_173 : i1
        %ge3A_175 = arith.constant 99 : i32
        %ge3A_176 = arith.cmpi sge, %scan3A_121, %ge3A_175 : i32
        %not3A_177 = arith.constant true
        %not3A_178 = arith.xori %ge3A_176, %not3A_177 : i1
        %and3A_179 = arith.andi %or3A_174, %not3A_178 : i1
        %ne3A_180 = arith.cmpi ne, %add3A_131, %add3A_140 : i32
        %or3A_181 = arith.constant false
        %or3A_182 = arith.ori %or3A_181, %ne3A_180 : i1
        %or3A_183 = arith.constant false
        %or3A_184 = arith.ori %or3A_182, %or3A_183 : i1
        %or3A_185 = arith.ori %or3A_184, %eq3A_128 : i1
        %convert_element_type3A_186 = arith.extui %or3A_185 : i1 to i32
        %cond3A_187 = arith.constant 0 : i32
        %cond3A_188 = arith.cmpi ne, %convert_element_type3A_186, %cond3A_187 : i32
        scf.if %cond3A_188 {
          "tpu.trace_start"() <{level = 10 : i32, message = "ep_wait_in"}> : () -> ()
          %mul3A_345 = arith.constant 2 : i32
          %mul3A_346 = arith.muli %mul3A_345, %add3A_131 : i32
          %rem3A_347 = arith.constant 2 : i32
          %rem3A_348 = arith.remui %scan3A_123, %rem3A_347 : i32
          %dma_wait3A_349 = arith.constant 0 : i32
          %dma_wait3A_350 = arith.constant 0 : i32
          %dma_wait3A_351 = tpu.memref_slice %run_scoped3A[%rem3A_348, %dma_wait3A_349, %dma_wait3A_350] : memref<2x2x128xi32, #tpu.memory_space<vmem>> -> memref<1x2x128xi32, #tpu.memory_space<vmem>>
          %dma_wait3A_352 = tpu.memref_squeeze %dma_wait3A_351 : memref<1x2x128xi32, #tpu.memory_space<vmem>> -> memref<2x128xi32, #tpu.memory_space<vmem>>
          %dma_wait3A_353 = arith.constant 0 : i32
          %dma_wait3A_354 = tpu.memref_slice %arg3[%mul3A_346, %dma_wait3A_353] : memref<6400x128xi32, #tpu.memory_space<hbm>> -> memref<2x128xi32, #tpu.memory_space<hbm>>
          %dma_wait3A_355 = tpu.memref_slice %run_scoped3A_7[%rem3A_348] : memref<2x!tpu.dma_semaphore, #tpu.memory_space<semaphore_mem>> -> memref<1x!tpu.dma_semaphore, #tpu.memory_space<semaphore_mem>>
          %dma_wait3A_356 = tpu.memref_squeeze %dma_wait3A_355 : memref<1x!tpu.dma_semaphore, #tpu.memory_space<semaphore_mem>> -> memref<!tpu.dma_semaphore, #tpu.memory_space<semaphore_mem>>
          %dma_wait3A_357 = arith.constant 0 : i32
          %dma_wait3A_358 = arith.constant 0 : i32
          %dma_wait3A_359 = tpu.memref_slice %run_scoped3A[%rem3A_348, %dma_wait3A_357, %dma_wait3A_358] : memref<2x2x128xi32, #tpu.memory_space<vmem>> -> memref<1x2x128xi32, #tpu.memory_space<vmem>>
          %dma_wait3A_360 = tpu.memref_squeeze %dma_wait3A_359 : memref<1x2x128xi32, #tpu.memory_space<vmem>> -> memref<2x128xi32, #tpu.memory_space<vmem>>
          %dma_wait3A_361 = arith.constant 0 : i32
          %dma_wait3A_362 = tpu.memref_slice %arg3[%mul3A_346, %dma_wait3A_361] : memref<6400x128xi32, #tpu.memory_space<hbm>> -> memref<2x128xi32, #tpu.memory_space<hbm>>
          tpu.wait_dma2 semaphore(%dma_wait3A_356 : memref<!tpu.dma_semaphore, #tpu.memory_space<semaphore_mem>>) src(%dma_wait3A_362 : memref<2x128xi32, #tpu.memory_space<hbm>>) dst(%dma_wait3A_360 : memref<2x128xi32, #tpu.memory_space<vmem>>)
          "tpu.trace_stop"() : () -> ()
        } else {
        }
        %ne3A_189 = arith.cmpi ne, %add3A_131, %add3A_140 : i32
        %or3A_190 = arith.constant false
        %or3A_191 = arith.ori %or3A_190, %ne3A_189 : i1
        %or3A_192 = arith.constant false
        %or3A_193 = arith.ori %or3A_191, %or3A_192 : i1
        %or3A_194 = arith.ori %or3A_193, %eq3A_128 : i1
        %convert_element_type3A_195 = arith.extui %or3A_194 : i1 to i32
        %cond3A_196 = arith.constant 0 : i32
        %cond3A_197 = arith.cmpi ne, %convert_element_type3A_195, %cond3A_196 : i32
        scf.if %cond3A_197 {
        } else {
        }
        %rem3A_198 = arith.constant 2 : i32
        %rem3A_199 = arith.remui %scan3A_123, %rem3A_198 : i32
        %rem3A_200 = arith.constant 2 : i32
        %rem3A_201 = arith.remui %scan3A_124, %rem3A_200 : i32
        %dma_start3A_202 = arith.constant 0 : i32
        "tpu.trace_start"() <{level = 10 : i32, message = "ep_run_kernel"}> : () -> ()
        %dma_start3A_203 = arith.constant 0 : i32
        %dma_start3A_204 = arith.constant 0 : i32
        %dma_start3A_205 = tpu.memref_slice %run_scoped3A_8[%rem3A_201, %dma_start3A_203, %dma_start3A_204] : memref<2x256x128xf32, #tpu.memory_space<vmem>> -> memref<1x256x128xf32, #tpu.memory_space<vmem>>
        %dma_start3A_206 = tpu.memref_squeeze %dma_start3A_205 : memref<1x256x128xf32, #tpu.memory_space<vmem>> -> memref<256x128xf32, #tpu.memory_space<vmem>>
        %dma_start3A_207 = arith.constant 0 : i32
        %dma_start3A_208 = arith.constant 0 : i32
        %dma_start3A_209 = tpu.memref_slice %dma_start3A_206[%dma_start3A_207, %dma_start3A_208] : memref<256x128xf32, #tpu.memory_space<vmem>> -> memref<128x128xf32, #tpu.memory_space<vmem>>
        %dma_start3A_210 = arith.constant 0 : i32
        %dma_start3A_211 = arith.constant 0 : i32
        %dma_start3A_212 = tpu.memref_slice %run_scoped3A[%rem3A_199, %dma_start3A_210, %dma_start3A_211] : memref<2x2x128xi32, #tpu.memory_space<vmem>> -> memref<1x2x128xi32, #tpu.memory_space<vmem>>
        %dma_start3A_213 = tpu.memref_squeeze %dma_start3A_212 : memref<1x2x128xi32, #tpu.memory_space<vmem>> -> memref<2x128xi32, #tpu.memory_space<vmem>>
        %dma_start3A_214 = arith.constant 0 : i32
        %dma_start3A_215 = tpu.memref_slice %dma_start3A_213[%dma_start3A_202, %dma_start3A_214] : memref<2x128xi32, #tpu.memory_space<vmem>> -> memref<1x128xi32, #tpu.memory_space<vmem>>
        %dma_start3A_216 = tpu.memref_squeeze %dma_start3A_215 : memref<1x128xi32, #tpu.memory_space<vmem>> -> memref<128xi32, #tpu.memory_space<vmem>>
        %dma_start3A_217 = arith.constant 0 : i32
        %dma_start3A_218 = arith.constant 0 : i32
        %dma_start3A_219 = tpu.memref_slice %arg2[%dma_start3A_217, %dma_start3A_218] : memref<100000x128xf32, #tpu.memory_space<hbm>> -> memref<100000x128xf32, #tpu.memory_space<hbm>>
        tpu.enqueue_indirect_dma source(%dma_start3A_219 : memref<100000x128xf32, #tpu.memory_space<hbm>>) target(%dma_start3A_209 : memref<128x128xf32, #tpu.memory_space<vmem>>) offsets(%dma_start3A_216 : memref<128xi32, #tpu.memory_space<vmem>>) semaphore(%arg5 : memref<!tpu.dma_semaphore, #tpu.memory_space<semaphore_mem>>)
        %dma_start3A_220 = arith.constant 1 : i32
        %dma_start3A_221 = arith.constant 0 : i32
        %dma_start3A_222 = arith.constant 0 : i32
        %dma_start3A_223 = tpu.memref_slice %run_scoped3A_8[%rem3A_201, %dma_start3A_221, %dma_start3A_222] : memref<2x256x128xf32, #tpu.memory_space<vmem>> -> memref<1x256x128xf32, #tpu.memory_space<vmem>>
        %dma_start3A_224 = tpu.memref_squeeze %dma_start3A_223 : memref<1x256x128xf32, #tpu.memory_space<vmem>> -> memref<256x128xf32, #tpu.memory_space<vmem>>
        %dma_start3A_225 = arith.constant 128 : i32
        %dma_start3A_226 = arith.constant 0 : i32
        %dma_start3A_227 = tpu.memref_slice %dma_start3A_224[%dma_start3A_225, %dma_start3A_226] : memref<256x128xf32, #tpu.memory_space<vmem>> -> memref<128x128xf32, #tpu.memory_space<vmem>>
        %dma_start3A_228 = arith.constant 0 : i32
        %dma_start3A_229 = arith.constant 0 : i32
        %dma_start3A_230 = tpu.memref_slice %run_scoped3A[%rem3A_199, %dma_start3A_228, %dma_start3A_229] : memref<2x2x128xi32, #tpu.memory_space<vmem>> -> memref<1x2x128xi32, #tpu.memory_space<vmem>>
        %dma_start3A_231 = tpu.memref_squeeze %dma_start3A_230 : memref<1x2x128xi32, #tpu.memory_space<vmem>> -> memref<2x128xi32, #tpu.memory_space<vmem>>
        %dma_start3A_232 = arith.constant 0 : i32
        %dma_start3A_233 = tpu.memref_slice %dma_start3A_231[%dma_start3A_220, %dma_start3A_232] : memref<2x128xi32, #tpu.memory_space<vmem>> -> memref<1x128xi32, #tpu.memory_space<vmem>>
        %dma_start3A_234 = tpu.memref_squeeze %dma_start3A_233 : memref<1x128xi32, #tpu.memory_space<vmem>> -> memref<128xi32, #tpu.memory_space<vmem>>
        %dma_start3A_235 = arith.constant 0 : i32
        %dma_start3A_236 = arith.constant 0 : i32
        %dma_start3A_237 = tpu.memref_slice %arg2[%dma_start3A_235, %dma_start3A_236] : memref<100000x128xf32, #tpu.memory_space<hbm>> -> memref<100000x128xf32, #tpu.memory_space<hbm>>
        tpu.enqueue_indirect_dma source(%dma_start3A_237 : memref<100000x128xf32, #tpu.memory_space<hbm>>) target(%dma_start3A_227 : memref<128x128xf32, #tpu.memory_space<vmem>>) offsets(%dma_start3A_234 : memref<128xi32, #tpu.memory_space<vmem>>) semaphore(%arg5 : memref<!tpu.dma_semaphore, #tpu.memory_space<semaphore_mem>>)
        %dma_wait3A_238 = arith.constant 0 : i32
        %dma_wait3A_239 = arith.constant 0 : i32
        %dma_wait3A_240 = arith.constant 0 : i32
        %dma_wait3A_241 = tpu.memref_slice %run_scoped3A_8[%rem3A_201, %dma_wait3A_239, %dma_wait3A_240] : memref<2x256x128xf32, #tpu.memory_space<vmem>> -> memref<1x256x128xf32, #tpu.memory_space<vmem>>
        %dma_wait3A_242 = tpu.memref_squeeze %dma_wait3A_241 : memref<1x256x128xf32, #tpu.memory_space<vmem>> -> memref<256x128xf32, #tpu.memory_space<vmem>>
        %dma_wait3A_243 = arith.constant 0 : i32
        %dma_wait3A_244 = arith.constant 0 : i32
        %dma_wait3A_245 = tpu.memref_slice %dma_wait3A_242[%dma_wait3A_243, %dma_wait3A_244] : memref<256x128xf32, #tpu.memory_space<vmem>> -> memref<128x128xf32, #tpu.memory_space<vmem>>
        %dma_wait3A_246 = arith.constant 0 : i32
        %dma_wait3A_247 = arith.constant 0 : i32
        %dma_wait3A_248 = tpu.memref_slice %run_scoped3A[%rem3A_199, %dma_wait3A_246, %dma_wait3A_247] : memref<2x2x128xi32, #tpu.memory_space<vmem>> -> memref<1x2x128xi32, #tpu.memory_space<vmem>>
        %dma_wait3A_249 = tpu.memref_squeeze %dma_wait3A_248 : memref<1x2x128xi32, #tpu.memory_space<vmem>> -> memref<2x128xi32, #tpu.memory_space<vmem>>
        %dma_wait3A_250 = arith.constant 0 : i32
        %dma_wait3A_251 = tpu.memref_slice %dma_wait3A_249[%dma_wait3A_238, %dma_wait3A_250] : memref<2x128xi32, #tpu.memory_space<vmem>> -> memref<1x128xi32, #tpu.memory_space<vmem>>
        %dma_wait3A_252 = tpu.memref_squeeze %dma_wait3A_251 : memref<1x128xi32, #tpu.memory_space<vmem>> -> memref<128xi32, #tpu.memory_space<vmem>>
        %dma_wait3A_253 = arith.constant 0 : i32
        %dma_wait3A_254 = arith.constant 0 : i32
        %dma_wait3A_255 = tpu.memref_slice %arg2[%dma_wait3A_253, %dma_wait3A_254] : memref<100000x128xf32, #tpu.memory_space<hbm>> -> memref<100000x128xf32, #tpu.memory_space<hbm>>
        tpu.wait_indirect_dma semaphore(%arg5 : memref<!tpu.dma_semaphore, #tpu.memory_space<semaphore_mem>>) src(%dma_wait3A_255 : memref<100000x128xf32, #tpu.memory_space<hbm>>) dst(%dma_wait3A_245 : memref<128x128xf32, #tpu.memory_space<vmem>>)
        %dma_wait3A_256 = arith.constant 1 : i32
        %dma_wait3A_257 = arith.constant 0 : i32
        %dma_wait3A_258 = arith.constant 0 : i32
        %dma_wait3A_259 = tpu.memref_slice %run_scoped3A_8[%rem3A_201, %dma_wait3A_257, %dma_wait3A_258] : memref<2x256x128xf32, #tpu.memory_space<vmem>> -> memref<1x256x128xf32, #tpu.memory_space<vmem>>
        %dma_wait3A_260 = tpu.memref_squeeze %dma_wait3A_259 : memref<1x256x128xf32, #tpu.memory_space<vmem>> -> memref<256x128xf32, #tpu.memory_space<vmem>>
        %dma_wait3A_261 = arith.constant 128 : i32
        %dma_wait3A_262 = arith.constant 0 : i32
        %dma_wait3A_263 = tpu.memref_slice %dma_wait3A_260[%dma_wait3A_261, %dma_wait3A_262] : memref<256x128xf32, #tpu.memory_space<vmem>> -> memref<128x128xf32, #tpu.memory_space<vmem>>
        %dma_wait3A_264 = arith.constant 0 : i32
        %dma_wait3A_265 = arith.constant 0 : i32
        %dma_wait3A_266 = tpu.memref_slice %run_scoped3A[%rem3A_199, %dma_wait3A_264, %dma_wait3A_265] : memref<2x2x128xi32, #tpu.memory_space<vmem>> -> memref<1x2x128xi32, #tpu.memory_space<vmem>>
        %dma_wait3A_267 = tpu.memref_squeeze %dma_wait3A_266 : memref<1x2x128xi32, #tpu.memory_space<vmem>> -> memref<2x128xi32, #tpu.memory_space<vmem>>
        %dma_wait3A_268 = arith.constant 0 : i32
        %dma_wait3A_269 = tpu.memref_slice %dma_wait3A_267[%dma_wait3A_256, %dma_wait3A_268] : memref<2x128xi32, #tpu.memory_space<vmem>> -> memref<1x128xi32, #tpu.memory_space<vmem>>
        %dma_wait3A_270 = tpu.memref_squeeze %dma_wait3A_269 : memref<1x128xi32, #tpu.memory_space<vmem>> -> memref<128xi32, #tpu.memory_space<vmem>>
        %dma_wait3A_271 = arith.constant 0 : i32
        %dma_wait3A_272 = arith.constant 0 : i32
        %dma_wait3A_273 = tpu.memref_slice %arg2[%dma_wait3A_271, %dma_wait3A_272] : memref<100000x128xf32, #tpu.memory_space<hbm>> -> memref<100000x128xf32, #tpu.memory_space<hbm>>
        tpu.wait_indirect_dma semaphore(%arg5 : memref<!tpu.dma_semaphore, #tpu.memory_space<semaphore_mem>>) src(%dma_wait3A_273 : memref<100000x128xf32, #tpu.memory_space<hbm>>) dst(%dma_wait3A_263 : memref<128x128xf32, #tpu.memory_space<vmem>>)
        "tpu.trace_stop"() : () -> ()
        %ne3A_274 = arith.cmpi ne, %add3A_131, %add3A_149 : i32
        %or3A_275 = arith.constant false
        %or3A_276 = arith.ori %or3A_275, %ne3A_274 : i1
        %or3A_277 = arith.constant false
        %or3A_278 = arith.ori %or3A_276, %or3A_277 : i1
        %or3A_279 = arith.ori %or3A_278, %eq3A_130 : i1
        %convert_element_type3A_280 = arith.extui %or3A_279 : i1 to i32
        %cond3A_281 = arith.constant 0 : i32
        %cond3A_282 = arith.cmpi ne, %convert_element_type3A_280, %cond3A_281 : i32
        scf.if %cond3A_282 {
        } else {
        }
        %and3A_283 = arith.constant false
        %and3A_284 = arith.andi %or3A_279, %and3A_283 : i1
        %ne3A_285 = arith.cmpi ne, %add3A_131, %add3A_149 : i32
        %or3A_286 = arith.constant false
        %or3A_287 = arith.ori %or3A_286, %ne3A_285 : i1
        %or3A_288 = arith.constant false
        %or3A_289 = arith.ori %or3A_287, %or3A_288 : i1
        %or3A_290 = arith.ori %or3A_289, %eq3A_130 : i1
        %convert_element_type3A_291 = arith.extui %or3A_290 : i1 to i32
        %cond3A_292 = arith.constant 0 : i32
        %cond3A_293 = arith.cmpi ne, %convert_element_type3A_291, %cond3A_292 : i32
        scf.if %cond3A_293 {
          "tpu.trace_start"() <{level = 10 : i32, message = "ep_copy_out"}> : () -> ()
          %rem3A_345 = arith.constant 2 : i32
          %rem3A_346 = arith.remui %scan3A_124, %rem3A_345 : i32
          %mul3A_347 = arith.constant 256 : i32
          %mul3A_348 = arith.muli %mul3A_347, %add3A_131 : i32
          %dma_start3A_349 = arith.constant 0 : i32
          %dma_start3A_350 = arith.constant 0 : i32
          %dma_start3A_351 = tpu.memref_slice %run_scoped3A_8[%rem3A_346, %dma_start3A_349, %dma_start3A_350] : memref<2x256x128xf32, #tpu.memory_space<vmem>> -> memref<1x256x128xf32, #tpu.memory_space<vmem>>
          %dma_start3A_352 = tpu.memref_squeeze %dma_start3A_351 : memref<1x256x128xf32, #tpu.memory_space<vmem>> -> memref<256x128xf32, #tpu.memory_space<vmem>>
          %dma_start3A_353 = arith.constant 0 : i32
          %dma_start3A_354 = tpu.memref_slice %arg4[%mul3A_348, %dma_start3A_353] : memref<819200x128xf32, #tpu.memory_space<hbm>> -> memref<256x128xf32, #tpu.memory_space<hbm>>
          %dma_start3A_355 = tpu.memref_slice %run_scoped3A_9[%rem3A_346] : memref<2x!tpu.dma_semaphore, #tpu.memory_space<semaphore_mem>> -> memref<1x!tpu.dma_semaphore, #tpu.memory_space<semaphore_mem>>
          %dma_start3A_356 = tpu.memref_squeeze %dma_start3A_355 : memref<1x!tpu.dma_semaphore, #tpu.memory_space<semaphore_mem>> -> memref<!tpu.dma_semaphore, #tpu.memory_space<semaphore_mem>>
          %dma_start3A_357 = arith.constant 0 : i32
          %dma_start3A_358 = tpu.memref_slice %arg4[%mul3A_348, %dma_start3A_357] : memref<819200x128xf32, #tpu.memory_space<hbm>> -> memref<256x128xf32, #tpu.memory_space<hbm>>
          %dma_start3A_359 = arith.constant 0 : i32
          %dma_start3A_360 = arith.constant 0 : i32
          %dma_start3A_361 = tpu.memref_slice %run_scoped3A_8[%rem3A_346, %dma_start3A_359, %dma_start3A_360] : memref<2x256x128xf32, #tpu.memory_space<vmem>> -> memref<1x256x128xf32, #tpu.memory_space<vmem>>
          %dma_start3A_362 = tpu.memref_squeeze %dma_start3A_361 : memref<1x256x128xf32, #tpu.memory_space<vmem>> -> memref<256x128xf32, #tpu.memory_space<vmem>>
          tpu.enqueue_dma source(%dma_start3A_362 : memref<256x128xf32, #tpu.memory_space<vmem>>) target(%dma_start3A_358 : memref<256x128xf32, #tpu.memory_space<hbm>>) target_semaphore(%dma_start3A_356 : memref<!tpu.dma_semaphore, #tpu.memory_space<semaphore_mem>>)
          "tpu.trace_stop"() : () -> ()
        } else {
        }
        %and3A_294 = arith.constant true
        %and3A_295 = arith.andi %or3A_290, %and3A_294 : i1
        %add3A_296 = arith.constant 1 : i32
        %add3A_297 = arith.addi %scan3A_124, %add3A_296 : i32
        %select_n3A_298 = arith.select %and3A_295, %add3A_297, %scan3A_124 : i32
        %ne3A_299 = arith.cmpi ne, %add3A_131, %add3A_140 : i32
        %or3A_300 = arith.constant false
        %or3A_301 = arith.ori %or3A_300, %ne3A_299 : i1
        %or3A_302 = arith.constant false
        %or3A_303 = arith.ori %or3A_301, %or3A_302 : i1
        %not3A_304 = arith.constant true
        %not3A_305 = arith.xori %eq3A_128, %not3A_304 : i1
        %and3A_306 = arith.andi %or3A_303, %not3A_305 : i1
        %convert_element_type3A_307 = arith.extui %and3A_306 : i1 to i32
        %cond3A_308 = arith.constant 0 : i32
        %cond3A_309 = arith.cmpi ne, %convert_element_type3A_307, %cond3A_308 : i32
        scf.if %cond3A_309 {
        } else {
        }
        %and3A_310 = arith.constant false
        %and3A_311 = arith.andi %and3A_306, %and3A_310 : i1
        %ne3A_312 = arith.cmpi ne, %add3A_131, %add3A_140 : i32
        %or3A_313 = arith.constant false
        %or3A_314 = arith.ori %or3A_313, %ne3A_312 : i1
        %or3A_315 = arith.constant false
        %or3A_316 = arith.ori %or3A_314, %or3A_315 : i1
        %not3A_317 = arith.constant true
        %not3A_318 = arith.xori %eq3A_128, %not3A_317 : i1
        %and3A_319 = arith.andi %or3A_316, %not3A_318 : i1
        %convert_element_type3A_320 = arith.extui %and3A_319 : i1 to i32
        %cond3A_321 = arith.constant 0 : i32
        %cond3A_322 = arith.cmpi ne, %convert_element_type3A_320, %cond3A_321 : i32
        scf.if %cond3A_322 {
          "tpu.trace_start"() <{level = 10 : i32, message = "ep_wait_out"}> : () -> ()
          %rem3A_345 = arith.constant 2 : i32
          %rem3A_346 = arith.remui %scan3A_125, %rem3A_345 : i32
          %mul3A_347 = arith.constant 256 : i32
          %mul3A_348 = arith.muli %mul3A_347, %add3A_140 : i32
          %dma_wait3A_349 = arith.constant 0 : i32
          %dma_wait3A_350 = arith.constant 0 : i32
          %dma_wait3A_351 = tpu.memref_slice %run_scoped3A_8[%rem3A_346, %dma_wait3A_349, %dma_wait3A_350] : memref<2x256x128xf32, #tpu.memory_space<vmem>> -> memref<1x256x128xf32, #tpu.memory_space<vmem>>
          %dma_wait3A_352 = tpu.memref_squeeze %dma_wait3A_351 : memref<1x256x128xf32, #tpu.memory_space<vmem>> -> memref<256x128xf32, #tpu.memory_space<vmem>>
          %dma_wait3A_353 = arith.constant 0 : i32
          %dma_wait3A_354 = tpu.memref_slice %arg4[%mul3A_348, %dma_wait3A_353] : memref<819200x128xf32, #tpu.memory_space<hbm>> -> memref<256x128xf32, #tpu.memory_space<hbm>>
          %dma_wait3A_355 = tpu.memref_slice %run_scoped3A_9[%rem3A_346] : memref<2x!tpu.dma_semaphore, #tpu.memory_space<semaphore_mem>> -> memref<1x!tpu.dma_semaphore, #tpu.memory_space<semaphore_mem>>
          %dma_wait3A_356 = tpu.memref_squeeze %dma_wait3A_355 : memref<1x!tpu.dma_semaphore, #tpu.memory_space<semaphore_mem>> -> memref<!tpu.dma_semaphore, #tpu.memory_space<semaphore_mem>>
          %dma_wait3A_357 = arith.constant 0 : i32
          %dma_wait3A_358 = tpu.memref_slice %arg4[%mul3A_348, %dma_wait3A_357] : memref<819200x128xf32, #tpu.memory_space<hbm>> -> memref<256x128xf32, #tpu.memory_space<hbm>>
          %dma_wait3A_359 = arith.constant 0 : i32
          %dma_wait3A_360 = arith.constant 0 : i32
          %dma_wait3A_361 = tpu.memref_slice %run_scoped3A_8[%rem3A_346, %dma_wait3A_359, %dma_wait3A_360] : memref<2x256x128xf32, #tpu.memory_space<vmem>> -> memref<1x256x128xf32, #tpu.memory_space<vmem>>
          %dma_wait3A_362 = tpu.memref_squeeze %dma_wait3A_361 : memref<1x256x128xf32, #tpu.memory_space<vmem>> -> memref<256x128xf32, #tpu.memory_space<vmem>>
          tpu.wait_dma2 semaphore(%dma_wait3A_356 : memref<!tpu.dma_semaphore, #tpu.memory_space<semaphore_mem>>) src(%dma_wait3A_362 : memref<256x128xf32, #tpu.memory_space<vmem>>) dst(%dma_wait3A_358 : memref<256x128xf32, #tpu.memory_space<hbm>>)
          "tpu.trace_stop"() : () -> ()
        } else {
        }
        %and3A_323 = arith.constant true
        %and3A_324 = arith.andi %and3A_319, %and3A_323 : i1
        %add3A_325 = arith.constant 1 : i32
        %add3A_326 = arith.addi %scan3A_125, %add3A_325 : i32
        %select_n3A_327 = arith.select %and3A_324, %add3A_326, %scan3A_125 : i32
        %ne3A_328 = arith.cmpi ne, %add3A_131, %add3A_149 : i32
        %or3A_329 = arith.constant false
        %or3A_330 = arith.ori %or3A_329, %ne3A_328 : i1
        %or3A_331 = arith.constant false
        %or3A_332 = arith.ori %or3A_330, %or3A_331 : i1
        %or3A_333 = arith.ori %or3A_332, %eq3A_130 : i1
        %add3A_334 = arith.constant 1 : i32
        %add3A_335 = arith.addi %scan3A_123, %add3A_334 : i32
        %select_n3A_336 = arith.select %or3A_333, %add3A_335, %scan3A_123 : i32
        %add3A_337 = arith.constant 1 : i32
        %add3A_338 = arith.addi %scan3A_126, %add3A_337 : i32
        %select_n3A_339 = arith.constant true
        %select_n3A_340 = arith.select %select_n3A_339, %add3A_338, %scan3A_126 : i32
        %eq3A_341 = arith.constant 100 : i32
        %eq3A_342 = arith.cmpi eq, %select_n3A_340, %eq3A_341 : i32
        %select_n3A_343 = arith.constant 0 : i32
        %select_n3A_344 = arith.select %eq3A_342, %select_n3A_343, %select_n3A_340 : i32
        scf.yield %select_n3A_169, %select_n3A_336, %select_n3A_298, %select_n3A_327, %select_n3A_344 : i32, i32, i32, i32, i32
      }
      %scan3A_68 = arith.constant 100 : i32
      %sub3A = arith.constant 1 : i32
      %sub3A_69 = arith.subi %scan3A_67#4, %sub3A : i32
      %select_n3A_70 = arith.constant true
      %select_n3A_71 = arith.select %select_n3A_70, %sub3A_69, %scan3A_67#4 : i32
      %eq3A_72 = arith.constant -1 : i32
      %eq3A_73 = arith.cmpi eq, %select_n3A_71, %eq3A_72 : i32
      %select_n3A_74 = arith.constant 99 : i32
      %select_n3A_75 = arith.select %eq3A_73, %select_n3A_74, %select_n3A_71 : i32
      %add3A_76 = arith.addi %select_n3A_75, %mul3A_6 : i32
      %sub3A_77 = arith.constant 1 : i32
      %sub3A_78 = arith.subi %select_n3A_75, %sub3A_77 : i32
      %select_n3A_79 = arith.constant true
      %select_n3A_80 = arith.select %select_n3A_79, %sub3A_78, %select_n3A_75 : i32
      %eq3A_81 = arith.constant -1 : i32
      %eq3A_82 = arith.cmpi eq, %select_n3A_80, %eq3A_81 : i32
      %select_n3A_83 = arith.constant 99 : i32
      %select_n3A_84 = arith.select %eq3A_82, %select_n3A_83, %select_n3A_80 : i32
      %add3A_85 = arith.addi %select_n3A_84, %mul3A_6 : i32
      %add3A_86 = arith.constant 1 : i32
      %add3A_87 = arith.addi %select_n3A_75, %add3A_86 : i32
      %select_n3A_88 = arith.constant true
      %select_n3A_89 = arith.select %select_n3A_88, %add3A_87, %select_n3A_75 : i32
      %eq3A_90 = arith.constant 100 : i32
      %eq3A_91 = arith.cmpi eq, %select_n3A_89, %eq3A_90 : i32
      %select_n3A_92 = arith.constant 0 : i32
      %select_n3A_93 = arith.select %eq3A_91, %select_n3A_92, %select_n3A_89 : i32
      %add3A_94 = arith.addi %select_n3A_93, %mul3A_6 : i32
      %add3A_95 = arith.constant 1 : i32
      %add3A_96 = arith.addi %select_n3A_93, %add3A_95 : i32
      %select_n3A_97 = arith.constant true
      %select_n3A_98 = arith.select %select_n3A_97, %add3A_96, %select_n3A_93 : i32
      %eq3A_99 = arith.constant 100 : i32
      %eq3A_100 = arith.cmpi eq, %select_n3A_98, %eq3A_99 : i32
      %select_n3A_101 = arith.constant 0 : i32
      %select_n3A_102 = arith.select %eq3A_100, %select_n3A_101, %select_n3A_98 : i32
      %add3A_103 = arith.addi %select_n3A_102, %mul3A_6 : i32
      "tpu.trace_start"() <{level = 10 : i32, message = "ep_finalize"}> : () -> ()
      %rem3A_104 = arith.constant 2 : i32
      %rem3A_105 = arith.remui %scan3A_67#3, %rem3A_104 : i32
      %mul3A_106 = arith.constant 256 : i32
      %mul3A_107 = arith.muli %mul3A_106, %add3A_76 : i32
      %dma_wait3A = arith.constant 0 : i32
      %dma_wait3A_108 = arith.constant 0 : i32
      %dma_wait3A_109 = tpu.memref_slice %run_scoped3A_8[%rem3A_105, %dma_wait3A, %dma_wait3A_108] : memref<2x256x128xf32, #tpu.memory_space<vmem>> -> memref<1x256x128xf32, #tpu.memory_space<vmem>>
      %dma_wait3A_110 = tpu.memref_squeeze %dma_wait3A_109 : memref<1x256x128xf32, #tpu.memory_space<vmem>> -> memref<256x128xf32, #tpu.memory_space<vmem>>
      %dma_wait3A_111 = arith.constant 0 : i32
      %dma_wait3A_112 = tpu.memref_slice %arg4[%mul3A_107, %dma_wait3A_111] : memref<819200x128xf32, #tpu.memory_space<hbm>> -> memref<256x128xf32, #tpu.memory_space<hbm>>
      %dma_wait3A_113 = tpu.memref_slice %run_scoped3A_9[%rem3A_105] : memref<2x!tpu.dma_semaphore, #tpu.memory_space<semaphore_mem>> -> memref<1x!tpu.dma_semaphore, #tpu.memory_space<semaphore_mem>>
      %dma_wait3A_114 = tpu.memref_squeeze %dma_wait3A_113 : memref<1x!tpu.dma_semaphore, #tpu.memory_space<semaphore_mem>> -> memref<!tpu.dma_semaphore, #tpu.memory_space<semaphore_mem>>
      %dma_wait3A_115 = arith.constant 0 : i32
      %dma_wait3A_116 = tpu.memref_slice %arg4[%mul3A_107, %dma_wait3A_115] : memref<819200x128xf32, #tpu.memory_space<hbm>> -> memref<256x128xf32, #tpu.memory_space<hbm>>
      %dma_wait3A_117 = arith.constant 0 : i32
      %dma_wait3A_118 = arith.constant 0 : i32
      %dma_wait3A_119 = tpu.memref_slice %run_scoped3A_8[%rem3A_105, %dma_wait3A_117, %dma_wait3A_118] : memref<2x256x128xf32, #tpu.memory_space<vmem>> -> memref<1x256x128xf32, #tpu.memory_space<vmem>>
      %dma_wait3A_120 = tpu.memref_squeeze %dma_wait3A_119 : memref<1x256x128xf32, #tpu.memory_space<vmem>> -> memref<256x128xf32, #tpu.memory_space<vmem>>
      tpu.wait_dma2 semaphore(%dma_wait3A_114 : memref<!tpu.dma_semaphore, #tpu.memory_space<semaphore_mem>>) src(%dma_wait3A_120 : memref<256x128xf32, #tpu.memory_space<vmem>>) dst(%dma_wait3A_116 : memref<256x128xf32, #tpu.memory_space<hbm>>)
      "tpu.trace_stop"() : () -> ()
      tpu.yield
    }) : () -> ()
    return
  }
}

module attributes {stable_mosaic.version = 14 : i64} {
  func.func @_project_body(%arg0: i32, %arg1: memref<4000x64xf32, #tpu.memory_space<vmem>>, %arg2: memref<4000x64xf32, #tpu.memory_space<vmem>>, %arg3: memref<64x64xf32, #tpu.memory_space<vmem>>, %arg4: memref<1x64xf32, #tpu.memory_space<vmem>>, %arg5: memref<64x64xf32, #tpu.memory_space<vmem>>, %arg6: memref<1x64xf32, #tpu.memory_space<vmem>>, %arg7: memref<4000x128xf32, #tpu.memory_space<vmem>>, %arg8: memref<4000x128xf32, #tpu.memory_space<vmem>>) attributes {dimension_semantics = [#tpu.dimension_semantics<arbitrary>], iteration_bounds = array<i64: 25>, scalar_prefetch = 0 : i64, scratch_operands = 0 : i64, tpu.core_type = #tpu.core_type<tc>, window_params = [{transform_indices = @transform_0, window_bounds = array<i64: 4000, 64>}, {transform_indices = @transform_1, window_bounds = array<i64: 4000, 64>}, {pipeline_mode = #tpu.pipeline_mode<synchronous>, transform_indices = @transform_2, window_bounds = array<i64: 64, 64>}, {pipeline_mode = #tpu.pipeline_mode<synchronous>, transform_indices = @transform_3, window_bounds = array<i64: 1, 64>}, {pipeline_mode = #tpu.pipeline_mode<synchronous>, transform_indices = @transform_4, window_bounds = array<i64: 64, 64>}, {pipeline_mode = #tpu.pipeline_mode<synchronous>, transform_indices = @transform_5, window_bounds = array<i64: 1, 64>}, {transform_indices = @transform_6, window_bounds = array<i64: 4000, 128>}, {transform_indices = @transform_7, window_bounds = array<i64: 4000, 128>}]} {
    %get3A = arith.constant 0 : index
    %get3A_0 = arith.constant 0 : index
    %get3A_1 = vector.load %arg1[%get3A, %get3A_0] : memref<4000x64xf32, #tpu.memory_space<vmem>>, vector<4000x64xf32>
    %get3A_2 = arith.constant 0 : index
    %get3A_3 = arith.constant 0 : index
    %get3A_4 = vector.load %arg3[%get3A_2, %get3A_3] : memref<64x64xf32, #tpu.memory_space<vmem>>, vector<64x64xf32>
    %dot_general3A = arith.constant dense<0.000000e+00> : vector<4000x64xf32>
    %dot_general3A_5 = tpu.matmul %get3A_1, %get3A_4, %dot_general3A {dimension_numbers = #tpu.dot_dimension_numbers<[1], [0], [0], [1], [0, 0, 1, 1], [], []>, transpose_lhs_hint = false} : vector<4000x64xf32>, vector<64x64xf32>, vector<4000x64xf32> -> vector<4000x64xf32>
    %get3A_6 = arith.constant 0 : index
    %get3A_7 = arith.constant 0 : index
    %get3A_8 = vector.load %arg4[%get3A_6, %get3A_7] : memref<1x64xf32, #tpu.memory_space<vmem>>, vector<1x64xf32>
    %add3A = vector.broadcast %get3A_8 : vector<1x64xf32> to vector<4000x64xf32>
    %add3A_9 = arith.addf %dot_general3A_5, %add3A : vector<4000x64xf32>
    %get3A_10 = arith.constant 0 : index
    %get3A_11 = arith.constant 0 : index
    %get3A_12 = vector.load %arg2[%get3A_10, %get3A_11] : memref<4000x64xf32, #tpu.memory_space<vmem>>, vector<4000x64xf32>
    %get3A_13 = arith.constant 0 : index
    %get3A_14 = arith.constant 0 : index
    %get3A_15 = vector.load %arg5[%get3A_13, %get3A_14] : memref<64x64xf32, #tpu.memory_space<vmem>>, vector<64x64xf32>
    %dot_general3A_16 = arith.constant dense<0.000000e+00> : vector<4000x64xf32>
    %dot_general3A_17 = tpu.matmul %get3A_12, %get3A_15, %dot_general3A_16 {dimension_numbers = #tpu.dot_dimension_numbers<[1], [0], [0], [1], [0, 0, 1, 1], [], []>, transpose_lhs_hint = false} : vector<4000x64xf32>, vector<64x64xf32>, vector<4000x64xf32> -> vector<4000x64xf32>
    %get3A_18 = arith.constant 0 : index
    %get3A_19 = arith.constant 0 : index
    %get3A_20 = vector.load %arg6[%get3A_18, %get3A_19] : memref<1x64xf32, #tpu.memory_space<vmem>>, vector<1x64xf32>
    %add3A_21 = vector.broadcast %get3A_20 : vector<1x64xf32> to vector<4000x64xf32>
    %add3A_22 = arith.addf %dot_general3A_17, %add3A_21 : vector<4000x64xf32>
    %swap3A = arith.constant 0 : index
    %swap3A_23 = arith.constant 0 : index
    %swap3A_24 = vector.load %arg7[%swap3A, %swap3A_23] : memref<4000x128xf32, #tpu.memory_space<vmem>>, vector<4000x64xf32>
    tpu.vector_store %arg7[%swap3A, %swap3A_23], %add3A_9 {strides = array<i32>} : memref<4000x128xf32, #tpu.memory_space<vmem>>, vector<4000x64xf32>,
    %swap3A_25 = arith.constant 0 : index
    %swap3A_26 = arith.constant 64 : index
    %swap3A_27 = vector.load %arg7[%swap3A_25, %swap3A_26] : memref<4000x128xf32, #tpu.memory_space<vmem>>, vector<4000x64xf32>
    tpu.vector_store %arg7[%swap3A_25, %swap3A_26], %add3A_22 {strides = array<i32>} : memref<4000x128xf32, #tpu.memory_space<vmem>>, vector<4000x64xf32>,
    %swap3A_28 = arith.constant 0 : index
    %swap3A_29 = arith.constant 0 : index
    %swap3A_30 = vector.load %arg8[%swap3A_28, %swap3A_29] : memref<4000x128xf32, #tpu.memory_space<vmem>>, vector<4000x64xf32>
    tpu.vector_store %arg8[%swap3A_28, %swap3A_29], %add3A_22 {strides = array<i32>} : memref<4000x128xf32, #tpu.memory_space<vmem>>, vector<4000x64xf32>,
    %swap3A_31 = arith.constant 0 : index
    %swap3A_32 = arith.constant 64 : index
    %swap3A_33 = vector.load %arg8[%swap3A_31, %swap3A_32] : memref<4000x128xf32, #tpu.memory_space<vmem>>, vector<4000x64xf32>
    tpu.vector_store %arg8[%swap3A_31, %swap3A_32], %add3A_9 {strides = array<i32>} : memref<4000x128xf32, #tpu.memory_space<vmem>>, vector<4000x64xf32>,
    return
  }
  func.func @transform_0(%arg0: i32) -> (i32, i32) {
    %c0_i32 = arith.constant 0 : i32
    %c0_i32_0 = arith.constant 0 : i32
    return %arg0, %c0_i32 : i32, i32
  }
  func.func @transform_1(%arg0: i32) -> (i32, i32) {
    %c0_i32 = arith.constant 0 : i32
    %c0_i32_0 = arith.constant 0 : i32
    return %arg0, %c0_i32 : i32, i32
  }
  func.func @transform_2(%arg0: i32) -> (i32, i32) {
    %c0_i32 = arith.constant 0 : i32
    %c0_i32_0 = arith.constant 0 : i32
    %c0_i32_1 = arith.constant 0 : i32
    return %c0_i32, %c0_i32_0 : i32, i32
  }
  func.func @transform_3(%arg0: i32) -> (i32, i32) {
    %c0_i32 = arith.constant 0 : i32
    %c0_i32_0 = arith.constant 0 : i32
    %c0_i32_1 = arith.constant 0 : i32
    return %c0_i32, %c0_i32_0 : i32, i32
  }
  func.func @transform_4(%arg0: i32) -> (i32, i32) {
    %c0_i32 = arith.constant 0 : i32
    %c0_i32_0 = arith.constant 0 : i32
    %c0_i32_1 = arith.constant 0 : i32
    return %c0_i32, %c0_i32_0 : i32, i32
  }
  func.func @transform_5(%arg0: i32) -> (i32, i32) {
    %c0_i32 = arith.constant 0 : i32
    %c0_i32_0 = arith.constant 0 : i32
    %c0_i32_1 = arith.constant 0 : i32
    return %c0_i32, %c0_i32_0 : i32, i32
  }
  func.func @transform_6(%arg0: i32) -> (i32, i32) {
    %c0_i32 = arith.constant 0 : i32
    %c0_i32_0 = arith.constant 0 : i32
    return %arg0, %c0_i32 : i32, i32
  }
  func.func @transform_7(%arg0: i32) -> (i32, i32) {
    %c0_i32 = arith.constant 0 : i32
    %c0_i32_0 = arith.constant 0 : i32
    return %arg0, %c0_i32 : i32, i32
  }
}

module attributes {stable_mosaic.version = 14 : i64} {
  func.func @_ctx_body(%arg0: memref<4096x2xi32, #tpu.memory_space<vmem>>, %arg1: memref<8x2xf32, #tpu.memory_space<vmem>>, %arg2: memref<128x4xf32, #tpu.memory_space<vmem>>, %arg3: memref<4096x6xf32, #tpu.memory_space<vmem>>) attributes {dimension_semantics = [], scalar_prefetch = 0 : i64, scratch_operands = 0 : i64, tpu.core_type = #tpu.core_type<tc>} {
    %get3A = arith.constant 0 : index
    %get3A_0 = arith.constant 0 : index
    %get3A_1 = vector.load %arg0[%get3A, %get3A_0] : memref<4096x2xi32, #tpu.memory_space<vmem>>, vector<4096x2xi32>
    %slice3A = vector.extract_strided_slice %get3A_1 {offsets = [0, 0], sizes = [4096, 1], strides = [1, 1]} : vector<4096x2xi32> to vector<4096x1xi32>
    %slice3A_2 = vector.extract_strided_slice %get3A_1 {offsets = [0, 1], sizes = [4096, 1], strides = [1, 1]} : vector<4096x2xi32> to vector<4096x1xi32>
    %iota3A = tpu.iota {dimensions = array<i32: 1>} : vector<4096x8xi32>
    %eq3A = vector.broadcast %slice3A : vector<4096x1xi32> to vector<4096x8xi32>
    %eq3A_3 = arith.cmpi eq, %iota3A, %eq3A : vector<4096x8xi32>
    %convert_element_type3A = arith.extui %eq3A_3 : vector<4096x8xi1> to vector<4096x8xi32>
    %convert_element_type3A_4 = arith.sitofp %convert_element_type3A : vector<4096x8xi32> to vector<4096x8xf32>
    %iota3A_5 = tpu.iota {dimensions = array<i32: 1>} : vector<4096x128xi32>
    %eq3A_6 = vector.broadcast %slice3A_2 : vector<4096x1xi32> to vector<4096x128xi32>
    %eq3A_7 = arith.cmpi eq, %iota3A_5, %eq3A_6 : vector<4096x128xi32>
    %convert_element_type3A_8 = arith.extui %eq3A_7 : vector<4096x128xi1> to vector<4096x128xi32>
    %convert_element_type3A_9 = arith.sitofp %convert_element_type3A_8 : vector<4096x128xi32> to vector<4096x128xf32>
    %get3A_10 = arith.constant 0 : index
    %get3A_11 = arith.constant 0 : index
    %get3A_12 = vector.load %arg1[%get3A_10, %get3A_11] : memref<8x2xf32, #tpu.memory_space<vmem>>, vector<8x2xf32>
    %dot_general3A = arith.constant dense<0.000000e+00> : vector<4096x2xf32>
    %dot_general3A_13 = tpu.matmul %convert_element_type3A_4, %get3A_12, %dot_general3A {dimension_numbers = #tpu.dot_dimension_numbers<[1], [0], [0], [1], [0, 0, 1, 1], [], []>, precision = #tpu.contract_precision<fp32>, transpose_lhs_hint = false} : vector<4096x8xf32>, vector<8x2xf32>, vector<4096x2xf32> -> vector<4096x2xf32>
    %get3A_14 = arith.constant 0 : index
    %get3A_15 = arith.constant 0 : index
    %get3A_16 = vector.load %arg2[%get3A_14, %get3A_15] : memref<128x4xf32, #tpu.memory_space<vmem>>, vector<128x4xf32>
    %dot_general3A_17 = arith.constant dense<0.000000e+00> : vector<4096x4xf32>
    %dot_general3A_18 = tpu.matmul %convert_element_type3A_9, %get3A_16, %dot_general3A_17 {dimension_numbers = #tpu.dot_dimension_numbers<[1], [0], [0], [1], [0, 0, 1, 1], [], []>, precision = #tpu.contract_precision<fp32>, transpose_lhs_hint = false} : vector<4096x128xf32>, vector<128x4xf32>, vector<4096x4xf32> -> vector<4096x4xf32>
    %concatenate3A = tpu.concatenate %dot_general3A_13, %dot_general3A_18 in 1 : vector<4096x2xf32>, vector<4096x4xf32> -> vector<4096x6xf32>
    %swap3A = arith.constant 0 : index
    %swap3A_19 = arith.constant 0 : index
    %swap3A_20 = vector.load %arg3[%swap3A, %swap3A_19] : memref<4096x6xf32, #tpu.memory_space<vmem>>, vector<4096x6xf32>
    tpu.vector_store %arg3[%swap3A, %swap3A_19], %concatenate3A {strides = array<i32>} : memref<4096x6xf32, #tpu.memory_space<vmem>>, vector<4096x6xf32>,
    return
  }
}

</mosaic_0001>

<sc_bundles>
// kernel: kernel.6.cloned.1.call-start
scs
__scs_entry_jumppad:
0x0: {  	(pc) =	sbr.rel $0x88, $3  }
0x1: {  	(tag) =	ssettag $0x0;
	lr =	simm.s32 $0x1  }
0x2: {  	[smem:$0x3F96] =	sst lr;
	_ =	strace $0xD0000000  }
0x3: {  	_ = 	snop  }
0x4: {  	_ = 	snop  }
0x5: {  	_ = 	snop  }
0x6: {  	_ = 	snop  }
0x7: {  	_ = 	snop  }
__scs_overlays_trampoline_lowered:
0x8: {  	[smem:$0x3FA5] =	sst s0  }
0x9: {  	[smem:$0x3FA6] =	sst s1  }
0xa: {  	[smem:$0x3FA7] =	sst s2  }
0xb: {  	[smem:$0x3FA8] =	sst s3  }
0xc: {  	[smem:$0x3FA9] =	sst s4  }
0xd: {  	[smem:$0x3FAA] =	sst s5  }
0xe: {  	[smem:$0x3FAB] =	sst s6  }
0xf: {  	[smem:$0x3FAC] =	sst s7  }
0x10: {  	[smem:$0x3FAD] =	sst s8  }
0x11: {  	[smem:$0x3FAE] =	sst s9;
	s0 =	simm.s32 @!p0 $0x0  }
0x12: {  	s1 =	sld [smem:$0x3F94];
	s0 =	simm.s32 @p0 $0x1  }
0x13: {  	[smem:$0x3FAF] =	sst s0;
	s0 =	simm.s32 @!p1 $0x0  }
0x14: {  	s2 =	sld [smem:$0x3F93];
	s0 =	simm.s32 @p1 $0x1  }
0x15: {  	[smem:$0x3FB0] =	sst s0;
	s0 =	simm.s32 @!p2 $0x0  }
0x16: {  	s3 =	sld [smem:$0x3FDB];
	s0 =	simm.s32 @p2 $0x1  }
0x17: {  	s4 =	simm.s32 $0x1BF5;
	[smem:$0x3FB2] =	sst s0  }
0x18: {  	s0 =	sld [smem:$0x3F95];
	_ =	swait.ge [sflag:s4], $0x0  }
0x19: {  	s7 =	sld [smem:$0x3F96]  }
0x1a: {  	s8 =	sadd.s32 $0xFFFFE003, lr  }
0x1b: {  	s9 =	sadd.s32 $0xFFFFFEF7, lr;
	s5 =	simm.s32 $0xFFFFFFFF;
	p2 =	slt.u32 s8, $0xFFFFF086  }
0x1c: {  	p1 =	slt.u32 s9, $0xF7A;
	s5 =	simm.s32 @!p2 $0x0  }
0x1d: {  	s5 =	simm.s32 @p1 $0x1;
	p0 =	seq.s32 s7, s2  }
0x1e: {  	s7 =	smul.u32 @!p0 $0xF7A, s2;
	p2 =	seq.s32 @!p0 s5, $0x0  }
0x1f: {  	s9 =	smul.u32 $0xF7A, s1;
	s8 =	simm.s32 @!p0 $0x1BF5;
	p2 =	por !p2, p0  }
0x20: {  	[sflag:s8] =	ssyncset.s32 @!p0 $0xFFFFF086;
	s6 =	sadd.s32 @!p0 s3, s7;
	s7 =	simm.s32 @!p0 $0x108  }
0x21: {  	s3 =	sadd.s32 s3, s9;
	s6 =	sadd.s32 @!p0 $0x88, s6;
	s7 =	simm.s32 @p2 $0x1082  }
0x22: {  	[simem:s7], [sflag:s8] =	dma.local @!p0 [hbm:s6], $0xF7A  }
0x23: {  	s9 =	sor.u32 $0xD0000000, s2;
	s6 =	simm.s32 $0x108;
	_ =	swait.ge @!p0 [sflag:s8], $0x0  }
0x24: {  	s3 =	sadd.s32 $0x88, s3;
	s6 =	simm.s32 @!p1 $0x1082;
	[sflag:s4] =	ssyncset.s32 $0xFFFFF086  }
0x25: {  	[simem:s6], [sflag:s4] =	dma.local [hbm:s3], $0xF7A  }
0x26: {  	[smem:$0x3F96] =	sst s1;
	(tag) =	ssettag s2;
	_ =	strace s9  }
0x27: {  	s1 =	sld [smem:$0x3FA6]  }
0x28: {  	s2 =	sld [smem:$0x3FA7]  }
0x29: {  	s4 =	sld [smem:$0x3FA9]  }
0x2a: {  	p0 =	seq.s32 s5, $0x0;
	s5 =	sld [smem:$0x3FAA]  }
0x2b: {  	s6 =	sld [smem:$0x3FAB]  }
0x2c: {  	s7 =	sld [smem:$0x3FAC]  }
0x2d: {  	s3 =	simm.s32 $0x108;
	s8 =	sld [smem:$0x3FAD]  }
0x2e: {  	s3 =	simm.s32 @!p0 $0x1082;
	s9 =	sld [smem:$0x3FAE]  }
0x2f: {  	lr =	sadd.s32 s0, s3;
	s0 =	sld [smem:$0x3FA5]  }
0x30: {  	s3 =	sld [smem:$0x3FA8]  }
0x31: {  	[smem:$0x3FB1] =	sst s10  }
0x32: {  	s10 =	sld [smem:$0x3FAF];
	_ =	sdelay $0x3  }
0x33: {  	p0 =	seq.s32 s10, $0x1;
	s10 =	sld [smem:$0x3FB1];
	_ =	sdelay $0x3  }
0x34: {  	[smem:$0x3FB1] =	sst s10  }
0x35: {  	s10 =	sld [smem:$0x3FB0];
	_ =	sdelay $0x3  }
0x36: {  	p1 =	seq.s32 s10, $0x1;
	s10 =	sld [smem:$0x3FB1];
	_ =	sdelay $0x3  }
0x37: {  	[smem:$0x3FB1] =	sst s10  }
0x38: {  	s10 =	sld [smem:$0x3FB2]  }
0x39: {  	_ = 	snop;
	(pc) =	sbr.ind lr, $3  }
0x3a: {  	_ = 	snop  }
0x3b: {  	_ = 	snop  }
0x3c: {  	p2 =	seq.s32 s10, $0x1;
	s10 =	sld [smem:$0x3FB1]  }
0x3d: {  	_ =	shalt  }
0x3e: {  	_ =	shalt  }
0x3f: {  	_ =	shalt  }
0x40: {  	_ =	shalt  }
0x41: {  	_ =	shalt  }
0x42: {  	_ =	shalt  }
0x43: {  	_ =	shalt  }
0x44: {  	_ =	shalt  }
0x45: {  	_ =	shalt  }
0x46: {  	_ =	shalt  }
0x47: {  	_ =	shalt  }
0x48: {  	_ =	shalt  }
0x49: {  	_ =	shalt  }
0x4a: {  	_ =	shalt  }
0x4b: {  	_ =	shalt  }
0x4c: {  	_ =	shalt  }
0x4d: {  	_ =	shalt  }
0x4e: {  	_ =	shalt  }
0x4f: {  	_ =	shalt  }
0x50: {  	_ =	shalt  }
0x51: {  	_ =	shalt  }
0x52: {  	_ =	shalt  }
0x53: {  	_ =	shalt  }
0x54: {  	_ =	shalt  }
0x55: {  	_ =	shalt  }
0x56: {  	_ =	shalt  }
0x57: {  	_ =	shalt  }
0x58: {  	_ =	shalt  }
0x59: {  	_ =	shalt  }
0x5a: {  	_ =	shalt  }
0x5b: {  	_ =	shalt  }
0x5c: {  	_ =	shalt  }
0x5d: {  	_ =	shalt  }
0x5e: {  	_ =	shalt  }
0x5f: {  	_ =	shalt  }
0x60: {  	_ =	shalt  }
0x61: {  	_ =	shalt  }
0x62: {  	_ =	shalt  }
0x63: {  	_ =	shalt  }
0x64: {  	_ =	shalt  }
0x65: {  	_ =	shalt  }
0x66: {  	_ =	shalt  }
0x67: {  	_ =	shalt  }
0x68: {  	_ =	shalt  }
0x69: {  	_ =	shalt  }
0x6a: {  	_ =	shalt  }
0x6b: {  	_ =	shalt  }
0x6c: {  	_ =	shalt  }
0x6d: {  	_ =	shalt  }
0x6e: {  	_ =	shalt  }
0x6f: {  	_ =	shalt  }
0x70: {  	_ =	shalt  }
0x71: {  	_ =	shalt  }
0x72: {  	_ =	shalt  }
0x73: {  	_ =	shalt  }
0x74: {  	_ =	shalt  }
0x75: {  	_ =	shalt  }
0x76: {  	_ =	shalt  }
0x77: {  	_ =	shalt  }
0x78: {  	_ =	shalt  }
0x79: {  	_ =	shalt  }
0x7a: {  	_ =	shalt  }
0x7b: {  	_ =	shalt  }
0x7c: {  	_ =	shalt  }
0x7d: {  	_ =	shalt  }
0x7e: {  	_ =	shalt  }
0x7f: {  	_ =	shalt  }
0x80: {  	_ =	shalt  }
0x81: {  	_ =	shalt  }
0x82: {  	_ =	shalt  }
0x83: {  	_ =	shalt  }
0x84: {  	_ =	shalt  }
0x85: {  	_ =	shalt  }
0x86: {  	_ =	shalt  }
0x87: {  	_ =	shalt  }
.Lfunc_end0:
.L_simem_size_0:
called_computation.2_lowered:
.L_overlay_start_0:
0x88: {  	s2 =	sld [smem:$0x3FD9]  }
0x89: {  	s3 =	sld [smem:$0x3FFE];
	_ =	sdelay $0x1  }
0x8a: {  	s1 =	srdreg.scid  }
0x8b: {  	s0 =	sand.u32 $0x1, s1  }
0x8c: {  	s15 =	sshll.u32 s0, $0xA;
	s2 =	sadd.s32 s3, s2  }
0x8d: {  	s2 =	sadd.s32 s2, s15  }
0x8e: {  	[smem:$0x3FBD] =	sst s2  }
0x8f: {  	_ = 	snop  }
0x90: {  	s2 =	sld [smem:$0x3FD0];
	_ =	sdelay $0x2  }
0x91: {  	s16 =	simm.s32 $0xB;
	s4 =	simm.s32 $0x10  }
0x92: {  	[smem:s4], [sflag:s16] =	dma.local [hbm:s2], $0x1  }
0x93: {  	_ =	swait.eq [sflag:s16], $0x1  }
0x94: {  	[sflag:s16] =	ssyncset.done $0x0  }
0x95: {  	[sflag:s16] =	ssyncadd.s32 $0xFFFFFFFF  }
0x96: {  	s17 =	sld [smem:$0x11];
	(tm) =	ssettm $0x1  }
0x97: {  	s18 =	sld [smem:$0x3FFB];
	_ =	sdelay $0x3  }
0x98: {  	_ =	strace s18  }
0x99: {  	s2 =	sld [smem:$0x3FFC];
	_ =	sdelay $0x3  }
0x9a: {  	_ =	strace s2  }
0x9b: {  	s2 =	sld [smem:$0x3FFD];
	_ =	sdelay $0x3  }
0x9c: {  	_ =	strace s2  }
0x9d: {  	_ =	strace $0x8FFFFFFF  }
0x9e: {  	s19 =	sld [smem:$0x3FDB];
	_ =	sdelay $0x1  }
0x9f: {  	s20 =	simm.s32 $_scs_section_size  }
0xa0: {  	s5 =	simm.s32 $_size__tile_overlayer_lowered;
	s6 =	simm.s32 $_tile_overlayer_lowered  }
0xa1: {  	s7 =	simm.s32 $0x1BFF;
	s21 =	sshll.u32 s6, $0x1;
	s4 =	sadd.s32 s20, s19  }
0xa2: {  	s22 =	simm.s32 $0x0;
	s5 =	sshll.u32 s5, $0x1;
	s6 =	sadd.s32 s21, s4  }
0xa3: {  	[timem:s22], [sflag:s7] =	dma.local [hbm:s6], s5  }
0xa4: {  	_ =	swait.ge [sflag:s7], s5  }
0xa5: {  	s5 =	ssub.s32 $0x0, s5;
	[sflag:s7] =	ssyncset.done $0x0  }
0xa6: {  	[sflag:s7] =	ssyncadd.s32 s5;
	_ =	sdelay $0x1  }
0xa7: {  	s23 =	simm.s32 $0x1B8B  }
0xa8: {  	_ =	swait.ge [sflag:s23], $0x1  }
0xa9: {  	[sflag:s23] =	ssyncset.done $0x0  }
0xaa: {  	[sflag:s23] =	ssyncadd.s32 $0xFFFFFFFF  }
0xab: {  	s5 =	sld [smem:$0x0]  }
0xac: {  	s6 =	sand.u32 $0xFFFFFFFE, s1  }
0xad: {  	p0 =	sne.s32 s1, s6  }
0xae: {  	s6 =	sshll.u32 @p0 s6, $0xE  }
0xaf: {  	s6 =	sadd.s32 @p0 $0x11B8D, s6;
	s7 =	sshll.u32 @p0 s5, $0x11  }
0xb0: {  	s6 =	sor.u32 @p0 s7, s6  }
0xb1: {  	[sflag:s6] =	ssyncadd.remote.s32 @p0 $0x1;
	_ =	sdelay $0x1  }
0xb2: {  	s6 =	simm.s32 @p0 $0x1B8D  }
0xb3: {  	_ =	swait.eq @p0 [sflag:s6], $0x1  }
0xb4: {  	[sflag:s6] =	ssyncadd.s32 @p0 $0xFFFFFFFF  }
0xb5: {  	s7 =	sshll.u32 @!p0 s1, $0xE  }
0xb6: {  	s7 =	sor.u32 @!p0 $0x4000, s7;
	s6 =	simm.s32 @!p0 $0x1B8D  }
0xb7: {  	s5 =	sshll.u32 @!p0 s5, $0x11;
	s7 =	sadd.s32 @!p0 $0x11B8D, s7;
	_ =	swait.eq @!p0 [sflag:s6], $0x1  }
0xb8: {  	s5 =	sor.u32 @!p0 s5, s7;
	[sflag:s6] =	ssyncadd.s32 @!p0 $0xFFFFFFFF  }
0xb9: {  	s25 =	simm.s32 $0x1B8E;
	s24 =	sld [smem:$0x3FFE];
	[sflag:s5] =	ssyncadd.remote.s32 @!p0 $0x1  }
0xba: {  	s26 =	simm.s32 $execute0_lowered;
	[smem:$0x3FD2] =	sst s25  }
0xbb: {  	s6 =	sshll.u32 s26, $0x1;
	_ =	strace $0x80000050;
	[dreg:$0x1] =	wrdreg $0xFFFFFFFF  }
0xbc: {  	s28 =	simm.s32 $_size_execute0_lowered;
	s4 =	sadd.s32 s4, s6;
	[dreg:$0x0] =	wrdreg $0x0  }
0xbd: {  	s6 =	sshll.u32 s28, $0x1;
	[dreg:$0x2] =	wrdreg s4  }
0xbe: {  	[dreg:$0x3] =	wrdreg s6  }
0xbf: {  	[dreg:$0x4] =	wrdreg $0xC0  }
0xc0: {  	_ =	task [dreg:s22], $0x5FFFF  }
0xc1: {  	[dreg:$0x1] =	wrdreg $0xFFFFFFFF  }
0xc2: {  	[dreg:$0x0] =	wrdreg $0x60  }
0xc3: {  	[dreg:$0x2] =	wrdreg s24  }
0xc4: {  	[dreg:$0x3] =	wrdreg s17  }
0xc5: {  	[dreg:$0x4] =	wrdreg $0xA  }
0xc6: {  	_ =	task.clear_ibuf [dreg:s22], $0x5FFFF;
	_ =	strace $0x90000050  }
0xc7: {  	s29 =	simm.s32 $0xA;
	_ =	strace $0x80000059  }
0xc8: {  	_ =	swait.ge [sflag:s29], $0x1  }
0xc9: {  	[sflag:s29] =	ssyncadd.s32 $0xFFFFFFFF  }
0xca: {  	_ =	strace $0x90000059  }
0xcb: {  	_ =	sfence  }
0xcc: {  	s30 =	sld [smem:$0x0];
	_ =	sdelay $0x2  }
0xcd: {  	s31 =	sshll.u32 s1, $0xD;
	s1 =	sshrl.u32 s1, $0x2  }
0xce: {  	s4 =	sand.u32 $0x4000, s31;
	s1 =	sadd.s32 s1, s30  }
0xcf: {  	s0 =	sor.u32 s4, s0;
	s1 =	sshll.u32 s1, $0x11  }
0xd0: {  	s0 =	sor.u32 s1, s0  }
0xd1: {  	s0 =	sadd.s32 $0x8F2B, s0  }
0xd2: {  	[sflag:s0] =	ssyncadd.remote.s32 $0x1  }
0xd3: {  	_ =	sfence.sel $0xFFFF  }
0xd4: {  	[dreg:$0x0] =	wrdreg $0xFFFFFFFF;
	(pc) =	sbr.abs _section_cstart, $3  }
0xd5: {  	[dreg:$0x1] =	wrdreg $0xFFFFFFFF  }
0xd6: {  	_ =	task.clear_ibuf [dreg:s22], $0x2FFFF;
	_ =	strace $0x9FFFFFFF  }
0xd7: {  	(tm) =	ssettm $0x7FFFFFFF  }
tec
execute0_lowered:
.L_overlay_start_1:
0x0: {  	(tag) =	ssettag $0x1  }
0x1: {  	s5 =	rddreg [dreg:$0x0]  }
0x2: {  	s1 =	rddreg [dreg:$0x1]  }
0x3: {  	s0 =	rddreg [dreg:$0x2];
	s2 =	simm.s32 $0x0  }
0x4: {  	s3 =	srdreg.scid;
	s10 =	simm.s32 $0x5;
	s11 =	simm.s32 $0x0  }
0x5: {  	[smem:$0x7FF] =	sst s2;
	s6 =	sand.u32 $0x1, s3;
	s3 =	stileid.u32  }
0x6: {  	s4 =	sadd.s32 $0x189000, s5;
	s7 =	sshll.u32 s6, $0x4;
	s6 =	ssub.s32 $0x2, s6  }
0x7: {  	s5 =	sadd.s32 $0xF8FA00, s5;
	s7 =	sor.u32 s3, s7;
	s8 =	sshrl.u32 s6, $0x1  }
0x8: {  	_ =	strace $0x80000051;
	s9 =	smul.u32 $0xC80, s7;
	s8 =	ssub.s32 s6, s8  }
0x9: {  	[dreg:$0x3] =	wrdreg s5;
	s5 =	smul.u32 $0x64, s7;
	s7 =	smax.u32 s8, $0x1  }
0xa: {  	s8 =	simm.s32 $0x1;
	s6 =	sadd.s32 s1, s9;
	s9 =	simm.s32 $0x80  }
.LBB2_1:
0xb: {  	_ =	strace $0x80000052;
	s12 =	simm.s32 $0x1;
	p0 =	por $0x0, $0x0  }
0xc: {  	[tilespmem:s2], [sflag:$0x2] =	stream.linear.gather [hbm4b:s6+s2], $0x100, $0x200038;
	[tilespmem:$0x10200] =	vst v63  }
0xd: {  	s14 =	simm.s32 $0x63;
	s12 =	simm.s32 @p0 $0x0  }
0xe: {  	p5 =	por $0x1, $0x1;
	p2 =	por $0x1, $0x1;
	p1 =	sne.s32 s12, $0x0  }
0xf: {  	p3 =	por $0x0, $0x0;
	s15 =	simm.s32 $0x62;
	p5 =	por !p5, !p1  }
0x10: {  	s21 =	sand.u32 $0x1, s2;
	p4 =	por p3, p3;
	p3 =	por !p5, !p5  }
0x11: {  	s19 =	simm.s32 $0x0;
	p6 =	por $0x0, $0x0;
	s13 =	sadd.s32 @p3 s5, s12  }
0x12: {  	s22 =	simm.s32 $0x1;
	s16 =	sshll.u32 @p3 s12, $0x8;
	s13 =	sshll.u32 @p3 s13, $0x8  }
0x13: {  	_ =	strace $0x90000052;
	s16 =	sand.u32 @p3 $0x300, s16;
	s13 =	sand.u32 @p3 $0xFFFFFC00, s13  }
0x14: {  	p4 =	por p4, p4;
	s18 =	sand.u32 @p3 $0x1, s8;
	s13 =	sor.u32 @p3 s16, s13  }
0x15: {  	_ =	strace @p3 $0x80000053;
	s20 =	simm.s32 @p3 $0x0;
	s13 =	sshrl.u32 @p3 s13, $0x3  }
0x16: {  	s16 =	sshll.u32 @p3 s18, $0x8;
	s18 =	sor.u32 @p3 $0x2, s18;
	s13 =	sadd.s32 @p3 s1, s13  }
0x17: {  	[tilespmem:s16], [sflag:s18] =	stream.linear.gather @p3 [hbm4b:s13+s20], $0x100, $0x200038;
	[tilespmem:$0x10200] =	vst v63  }
0x18: {  	s25 =	sadd.s32 $0x0, s5;
	p0 =	por p2, p2;
	s13 =	simm.s32 @!p4 $0x0  }
0x19: {  	p2 =	por $0x0, $0x0;
	s13 =	simm.s32 @p4 $0x1;
	p4 =	por p6, p6  }
0x1a: {  	s30 =	sor.u32 $0x2, s21;
	[smem:$0x7FC] =	sst s13;
	s16 =	simm.s32 @!p4 $0x0  }
0x1b: {  	s31 =	sshll.u32 s21, $0xF;
	_ =	strace @p3 $0x90000053;
	s16 =	simm.s32 @p4 $0x1  }
0x1c: {  	s19 =	sand.u32 $0x100, s19;
	_ =	strace $0x80000054;
	[smem:$0x7FD] =	sst s16  }
0x1d: {  	s17 =	sand.u32 @!p0 $0x1, s2;
	s24 =	sor.u32 $0x200, s31;
	_ =	swait.ge [sflag:s30], $0x100  }
0x1e: {  	p5 =	por p2, p2;
	s18 =	sadd.s32 $0x1, s12;
	[sflag:s30] =	ssyncset.done $0x0  }
0x1f: {  	s20 =	simm.s32 $0x0;
	s13 =	simm.s32 $0x1;
	[sflag:s30] =	ssyncadd.s32 $0xFFFFFF00  }
0x20: {  	p6 =	por p1, p1;
	s13 =	simm.s32 @!p3 $0x0;
	_ =	strace $0x90000054  }
0x21: {  	p3 =	por p0, p0;
	p0 =	seq.s32 s18, $0x64;
	_ =	strace $0x80000055  }
0x22: {  	[tilespmem:s24], [sflag:$0x1] =	stream.indirect.gather [hbm4b:s4+s9], $0x80, s19, s9, $0x2000b8;
	[tilespmem:$0x10200] =	vst v63  }
0x23: {  	s16 =	sadd.s32 $0x1, s13;
	s13 =	sor.u32 $0x4200, s31;
	s19 =	sor.u32 $0x80, s19  }
0x24: {  	[tilespmem:s13], [sflag:$0x1] =	stream.indirect.gather [hbm4b:s4+s9], $0x80, s19, s9, $0x2000b8;
	[tilespmem:$0x10200] =	vst v63  }
0x25: {  	p1 =	por $0x0, $0x0;
	s18 =	simm.s32 @p0 $0x0;
	_ =	swait.ge [sflag:s8], $0x4000  }
0x26: {  	p4 =	por $0x1, $0x1;
	p2 =	sne.s32 s12, s18;
	[sflag:s8] =	ssyncset.done $0x0  }
0x27: {  	s22 =	simm.s32 @!p1 $0x0;
	p1 =	por !p4, !p2;
	[sflag:s8] =	ssyncadd.s32 $0xFFFFC000  }
0x28: {  	s13 =	simm.s32 $0x0;
	s19 =	simm.s32 $0x0;
	_ =	swait.ge [sflag:s8], $0x4000  }
.LBB2_2:
0x29: {  	s28 =	sld [smem:$0x7FC]  }
0x2a: {  	s23 =	simm.s32 @!p5 $0x0;
	[sflag:s8] =	ssyncset.done $0x0  }
0x2b: {  	s13 =	sadd.s32 s22, s13;
	s22 =	smov.u32 s15;
	s23 =	simm.s32 @p5 $0x1  }
0x2c: {  	[sflag:s8] =	ssyncadd.s32 $0xFFFFC000;
	[smem:$0x7F9] =	sst s23;
	p0 =	seq.s32 s28, $0x1  }
0x2d: {  	s15 =	sadd.s32 $0xFFFFFFFF, s15;
	_ =	strace $0x90000055;
	p0 =	por p0, p6  }
0x2e: {  	p4 =	seq.s32 s22, $0x64;
	s25 =	sshll.u32 @p0 s25, $0xC;
	_ =	strace @p0 $0x80000056  }
0x2f: {  	s21 =	sor.u32 @p0 $0x4, s21;
	s29 =	sand.u32 @p0 $0x1FFFF000, s25;
	s30 =	rddreg [dreg:$0x3]  }
0x30: {  	s25 =	simm.s32 @!p4 $0x0;
	s29 =	sadd.s32 @p0 s30, s29;
	s30 =	sld [smem:$0x7FD]  }
0x31: {  	s31 =	simm.s32 @p0 $0x0;
	s25 =	simm.s32 @p4 $0x1;
	p4 =	sne.s32 s15, $0x0  }
0x32: {  	[hbm4b:s29+s31] =	stream.linear.scatter @p0 [tilespmem:s24], [sflag:s21], $0x8000, $0x200038;
	[tilespmem:$0x10200] =	vst v63  }
0x33: {  	[smem:$0x7FA] =	sst s25;
	s25 =	simm.s32 @!p4 $0x0;
	p6 =	seq.s32 s30, $0x1  }
0x34: {  	s25 =	simm.s32 @p4 $0x1;
	p4 =	por p2, p2;
	p2 =	por p6, p6  }
0x35: {  	s26 =	sand.u32 @!p5 $0x1, s13;
	p5 =	seq.s32 s22, $0x1;
	s30 =	simm.s32 @!p2 $0x0  }
0x36: {  	p6 =	por p5, p5;
	s30 =	simm.s32 @p2 $0x1  }
0x37: {  	p1 =	por !p1, !p1;
	[smem:$0x7FC] =	sst s30;
	s30 =	simm.s32 @!p6 $0x0  }
0x38: {  	s28 =	simm.s32 $0x1;
	[smem:$0x7FB] =	sst s25;
	s30 =	simm.s32 @p6 $0x1  }
0x39: {  	s17 =	sor.u32 @!p3 $0x4, s17;
	s28 =	simm.s32 @!p0 $0x0;
	[smem:$0x7FD] =	sst s30  }
0x3a: {  	s20 =	sadd.s32 s28, s20;
	s21 =	sadd.s32 @p1 s5, s18;
	_ =	strace @p0 $0x90000056  }
0x3b: {  	s24 =	sshll.u32 @p1 s18, $0x8;
	s21 =	sshll.u32 @p1 s21, $0x8;
	_ =	strace @!p3 $0x80000057  }
0x3c: {  	s24 =	sand.u32 @p1 $0x300, s24;
	s21 =	sand.u32 @p1 $0xFFFFFC00, s21;
	_ =	swait.ge @!p3 [sflag:s17], $0x8000  }
0x3d: {  	s19 =	sadd.s32 s28, s19;
	s21 =	sor.u32 @p1 s24, s21;
	[sflag:s17] =	ssyncset.done @!p3 $0x0  }
0x3e: {  	s29 =	sand.u32 @p1 $0x1, s16;
	s21 =	sshrl.u32 @p1 s21, $0x3;
	[sflag:s17] =	ssyncadd.s32 @!p3 $0xFFFF8000  }
0x3f: {  	s24 =	sshll.u32 @p1 s29, $0x8;
	s21 =	sadd.s32 @p1 s1, s21;
	_ =	strace @!p3 $0x90000057  }
0x40: {  	s17 =	sor.u32 @p1 $0x2, s29;
	s29 =	simm.s32 @p1 $0x0;
	_ =	strace @p1 $0x80000053  }
0x41: {  	[tilespmem:s24], [sflag:s17] =	stream.linear.gather @p1 [hbm4b:s21+s29], $0x100, $0x200038;
	[tilespmem:$0x10200] =	vst v63  }
0x42: {  	s28 =	sand.u32 $0x1, s20;
	s21 =	simm.s32 $0x1;
	_ =	strace @p1 $0x90000053  }
0x43: {  	s17 =	smov.u32 s26;
	s26 =	sor.u32 $0x2, s28;
	_ =	strace $0x80000054  }
0x44: {  	s21 =	simm.s32 @!p1 $0x0;
	_ =	swait.ge [sflag:s26], $0x100  }
0x45: {  	s25 =	sshll.u32 s20, $0x8;
	s16 =	sadd.s32 s21, s16;
	[sflag:s26] =	ssyncset.done $0x0  }
0x46: {  	s21 =	sand.u32 $0x1, s19;
	s28 =	sld [smem:$0x7F9];
	[sflag:s26] =	ssyncadd.s32 $0xFFFFFF00  }
0x47: {  	s30 =	sshll.u32 s21, $0xF;
	s29 =	sld [smem:$0x7FA];
	_ =	strace $0x90000054  }
0x48: {  	s25 =	sand.u32 $0x100, s25;
	s24 =	sor.u32 $0x200, s30;
	_ =	strace $0x80000055  }
0x49: {  	[tilespmem:s24], [sflag:$0x1] =	stream.indirect.gather [hbm4b:s4+s9], $0x80, s25, s9, $0x2000b8;
	[tilespmem:$0x10200] =	vst v63  }
0x4a: {  	s26 =	sor.u32 $0x4200, s30;
	s25 =	sor.u32 $0x80, s25  }
0x4b: {  	[tilespmem:s26], [sflag:$0x1] =	stream.indirect.gather [hbm4b:s4+s9], $0x80, s25, s9, $0x2000b8;
	[tilespmem:$0x10200] =	vst v63  }
0x4c: {  	_ =	swait.ge [sflag:s8], $0x4000  }
0x4d: {  	[sflag:s8] =	ssyncset.done $0x0  }
0x4e: {  	s23 =	smov.u32 s12;
	[sflag:s8] =	ssyncadd.s32 $0xFFFFC000  }
0x4f: {  	s12 =	smov.u32 s18;
	s18 =	sadd.s32 $0x1, s18;
	_ =	swait.ge [sflag:s8], $0x4000  }
0x50: {  	p0 =	seq.s32 s18, $0x64;
	s31 =	sld [smem:$0x7FB]  }
0x51: {  	p6 =	por p4, p4;
	p4 =	sne.s32 s22, $0x1;
	s18 =	simm.s32 @p0 $0x0  }
0x52: {  	p0 =	sne.s32 s14, $0x64;
	s14 =	smov.u32 s22;
	s22 =	simm.s32 $0x1  }
0x53: {  	s22 =	simm.s32 @!p0 $0x0;
	p0 =	seq.s32 s31, $0x1  }
.Ltmp0:
0x54: {  	_ = 	snop;
	(pc) =	sbr.rel @p0 .LBB2_2-.Ltmp0, $4  }
0x55: {  	_ = 	snop  }
0x56: {  	p2 =	seq.s32 s29, $0x1  }
0x57: {  	p1 =	seq.s32 s28, $0x1;
	p5 =	por p2, p2;
	p2 =	sne.s32 s12, s18  }
0x58: {  	p3 =	por p1, p1;
	p1 =	por !p4, !p2;
	s25 =	sadd.s32 s5, s23  }
0x59: {  	s14 =	sld [smem:$0x7FC];
	_ =	sdelay $0x1  }
0x5a: {  	[sflag:s8] =	ssyncset.done $0x0  }
0x5b: {  	[sflag:s8] =	ssyncadd.s32 $0xFFFFC000;
	p0 =	seq.s32 s14, $0x1  }
0x5c: {  	_ =	strace $0x90000055;
	s14 =	simm.s32 $0x1;
	p4 =	por p0, p6  }
0x5d: {  	p0 =	por !p1, !p1;
	_ =	strace @p4 $0x80000056;
	s23 =	sshll.u32 @p4 s25, $0xC  }
0x5e: {  	s14 =	simm.s32 @!p4 $0x0;
	s15 =	rddreg [dreg:$0x3];
	s23 =	sand.u32 @p4 $0x1FFFF000, s23  }
0x5f: {  	s21 =	sor.u32 @p4 $0x4, s21;
	s15 =	sadd.s32 @p4 s15, s23;
	s23 =	simm.s32 @p4 $0x0  }
0x60: {  	[hbm4b:s15+s23] =	stream.linear.scatter @p4 [tilespmem:s24], [sflag:s21], $0x8000, $0x200038;
	[tilespmem:$0x10200] =	vst v63  }
0x61: {  	s16 =	sand.u32 @p0 $0x1, s16;
	s20 =	sadd.s32 s14, s20;
	_ =	strace @p4 $0x90000056  }
0x62: {  	s15 =	sor.u32 @!p3 $0x4, s17;
	s17 =	sadd.s32 @p0 s5, s18;
	_ =	strace @!p3 $0x80000057  }
0x63: {  	s18 =	sshll.u32 @p0 s18, $0x8;
	s17 =	sshll.u32 @p0 s17, $0x8;
	_ =	swait.ge @!p3 [sflag:s15], $0x8000  }
0x64: {  	s18 =	sand.u32 @p0 $0x300, s18;
	s17 =	sand.u32 @p0 $0xFFFFFC00, s17;
	[sflag:s15] =	ssyncset.done @!p3 $0x0  }
0x65: {  	s17 =	sor.u32 @p0 s18, s17;
	s18 =	sshll.u32 @p0 s16, $0x8;
	[sflag:s15] =	ssyncadd.s32 @!p3 $0xFFFF8000  }
0x66: {  	s15 =	sor.u32 @p0 $0x2, s16;
	s16 =	sshrl.u32 @p0 s17, $0x3;
	_ =	strace @!p3 $0x90000057  }
0x67: {  	s17 =	simm.s32 @p0 $0x0;
	s16 =	sadd.s32 @p0 s1, s16;
	_ =	strace @p0 $0x80000053  }
0x68: {  	[tilespmem:s18], [sflag:s15] =	stream.linear.gather @p0 [hbm4b:s16+s17], $0x100, $0x200038;
	[tilespmem:$0x10200] =	vst v63  }
0x69: {  	s28 =	sand.u32 $0x1, s20;
	_ =	strace @p0 $0x90000053  }
0x6a: {  	s15 =	sor.u32 $0x2, s28;
	_ =	strace $0x80000054  }
0x6b: {  	_ =	swait.ge [sflag:s15], $0x100  }
0x6c: {  	s14 =	sadd.s32 s14, s19;
	[sflag:s15] =	ssyncset.done $0x0  }
0x6d: {  	s14 =	sand.u32 $0x1, s14;
	[sflag:s15] =	ssyncadd.s32 $0xFFFFFF00  }
0x6e: {  	s29 =	sshll.u32 s20, $0x8;
	s30 =	sshll.u32 s14, $0xF;
	_ =	strace $0x90000054  }
0x6f: {  	s17 =	sor.u32 $0x200, s30;
	s15 =	sand.u32 $0x100, s29;
	_ =	strace $0x80000055  }
0x70: {  	[tilespmem:s17], [sflag:$0x1] =	stream.indirect.gather [hbm4b:s4+s9], $0x80, s15, s9, $0x2000b8;
	[tilespmem:$0x10200] =	vst v63  }
0x71: {  	s16 =	sor.u32 $0x4200, s30;
	s15 =	sor.u32 $0x80, s15  }
0x72: {  	[tilespmem:s16], [sflag:$0x1] =	stream.indirect.gather [hbm4b:s4+s9], $0x80, s15, s9, $0x2000b8;
	[tilespmem:$0x10200] =	vst v63  }
0x73: {  	_ =	swait.ge [sflag:s8], $0x4000  }
0x74: {  	[sflag:s8] =	ssyncset.done $0x0  }
0x75: {  	[sflag:s8] =	ssyncadd.s32 $0xFFFFC000  }
0x76: {  	_ =	swait.ge [sflag:s8], $0x4000  }
0x77: {  	s31 =	sld [smem:$0x7FD];
	_ =	sdelay $0x2  }
0x78: {  	[sflag:s8] =	ssyncset.done $0x0;
	p4 =	seq.s32 s31, $0x1  }
0x79: {  	p6 =	por p2, p2;
	[sflag:s8] =	ssyncadd.s32 $0xFFFFC000;
	p0 =	por p4, p4  }
0x7a: {  	s12 =	sadd.s32 s5, s12;
	_ =	strace $0x90000055;
	p0 =	por p0, p6  }
0x7b: {  	_ =	strace @p0 $0x80000056;
	s12 =	sshll.u32 @p0 s12, $0xC  }
0x7c: {  	s13 =	sadd.s32 s22, s13;
	s15 =	rddreg [dreg:$0x3];
	s12 =	sand.u32 @p0 $0x1FFFF000, s12  }
0x7d: {  	s14 =	sor.u32 @p0 $0x4, s14;
	s16 =	simm.s32 @p0 $0x0;
	s12 =	sadd.s32 @p0 s15, s12  }
0x7e: {  	[hbm4b:s12+s16] =	stream.linear.scatter @p0 [tilespmem:s17], [sflag:s14], $0x8000, $0x200038;
	[tilespmem:$0x10200] =	vst v63  }
0x7f: {  	p1 =	por p5, p5;
	s12 =	sand.u32 @!p5 $0x1, s13;
	_ =	strace @p0 $0x90000056  }
0x80: {  	s12 =	sor.u32 @!p1 $0x4, s12;
	_ =	strace @!p1 $0x80000057  }
0x81: {  	_ =	swait.ge @!p1 [sflag:s12], $0x8000  }
0x82: {  	[sflag:s12] =	ssyncset.done @!p1 $0x0  }
0x83: {  	s11 =	sadd.s32 $0x1, s11;
	[sflag:s12] =	ssyncadd.s32 @!p1 $0xFFFF8000  }
0x84: {  	p0 =	sne.s32 s11, s7;
	_ =	strace @!p1 $0x90000057  }
.Ltmp1:
0x85: {  	_ =	strace $0x80000058;
	(pc) =	sbr.rel @p0 .LBB2_1-.Ltmp1, $4  }
0x86: {  	_ =	swait.ge [sflag:s10], $0x8000  }
0x87: {  	[sflag:s10] =	ssyncset.done $0x0  }
0x88: {  	[sflag:s10] =	ssyncadd.s32 $0xFFFF8000  }
0x89: {  	_ =	strace $0x90000058  }
0x8a: {  	_ =	sfence.sel $0x180000  }
0x8b: {  	[bflag:$0x0] =	sbarrier.arrive $0xFFFF  }
0x8c: {  	p0 =	sne.s32 s3, $0x0;
	_ =	strace $0x90000051  }
0x8d: {  	s0 =	sadd.s32 @!p0 $0x100000, s0;
	[bflag:$0x2] =	sbarrier.arrive $0xFFFF  }
0x8e: {  	[sflag:s0] =	ssyncadd.tile.s32 @!p0 $0x1;
	_ =	shalt  }
.Lfunc_end2:
_tile_overlayer_lowered:
.L_overlay_start_2:
0x8f: {  	(tag) =	ssettag $0x2  }
0x90: {  	s0 =	rddreg [dreg:$0x0];
	s2 =	stileid.u32  }
0x91: {  	s1 =	rddreg [dreg:$0x1];
	p0 =	sne.s32 s2, $0x0  }
0x92: {  	s3 =	rddreg [dreg:$0x2];
	[bflag:$0x3] =	sbarrier.arrive $0xFFFF;
	s2 =	simm.s32 @!p0 $0x1C02  }
0x93: {  	[timem:s3], [sflag:s2] =	dma.local @!p0 [hbm:s0], s1  }
0x94: {  	s0 =	simm.s32 @!p0 $0x2  }
0x95: {  	_ =	swait.ge @!p0 [sflag:s0], s1  }
0x96: {  	s1 =	ssub.s32 @!p0 $0x0, s1;
	[sflag:s0] =	ssyncset.done @!p0 $0x0  }
0x97: {  	[sflag:s0] =	ssyncadd.s32 @!p0 s1  }
0x98: {  	[bflag:$0x3] =	sbarrier.arrive $0xFFFF  }
0x99: {  	_ =	shalt  }

// kernel: kernel.9.cloned.1.call-start
scs
__scs_entry_jumppad:
0x0: {  	(pc) =	sbr.rel $0x88, $3  }
0x1: {  	(tag) =	ssettag $0x0;
	lr =	simm.s32 $0x1  }
0x2: {  	[smem:$0x3F96] =	sst lr;
	_ =	strace $0xD0000000  }
0x3: {  	_ = 	snop  }
0x4: {  	_ = 	snop  }
0x5: {  	_ = 	snop  }
0x6: {  	_ = 	snop  }
0x7: {  	_ = 	snop  }
__scs_overlays_trampoline_lowered:
0x8: {  	[smem:$0x3FA5] =	sst s0  }
0x9: {  	[smem:$0x3FA6] =	sst s1  }
0xa: {  	[smem:$0x3FA7] =	sst s2  }
0xb: {  	[smem:$0x3FA8] =	sst s3  }
0xc: {  	[smem:$0x3FA9] =	sst s4  }
0xd: {  	[smem:$0x3FAA] =	sst s5  }
0xe: {  	[smem:$0x3FAB] =	sst s6  }
0xf: {  	[smem:$0x3FAC] =	sst s7  }
0x10: {  	[smem:$0x3FAD] =	sst s8  }
0x11: {  	[smem:$0x3FAE] =	sst s9;
	s0 =	simm.s32 @!p0 $0x0  }
0x12: {  	s1 =	sld [smem:$0x3F94];
	s0 =	simm.s32 @p0 $0x1  }
0x13: {  	[smem:$0x3FAF] =	sst s0;
	s0 =	simm.s32 @!p1 $0x0  }
0x14: {  	s2 =	sld [smem:$0x3F93];
	s0 =	simm.s32 @p1 $0x1  }
0x15: {  	[smem:$0x3FB0] =	sst s0;
	s0 =	simm.s32 @!p2 $0x0  }
0x16: {  	s3 =	sld [smem:$0x3FDB];
	s0 =	simm.s32 @p2 $0x1  }
0x17: {  	s4 =	simm.s32 $0x1BF5;
	[smem:$0x3FB2] =	sst s0  }
0x18: {  	s0 =	sld [smem:$0x3F95];
	_ =	swait.ge [sflag:s4], $0x0  }
0x19: {  	s7 =	sld [smem:$0x3F96]  }
0x1a: {  	s8 =	sadd.s32 $0xFFFFE003, lr  }
0x1b: {  	s9 =	sadd.s32 $0xFFFFFEF7, lr;
	s5 =	simm.s32 $0xFFFFFFFF;
	p2 =	slt.u32 s8, $0xFFFFF086  }
0x1c: {  	p1 =	slt.u32 s9, $0xF7A;
	s5 =	simm.s32 @!p2 $0x0  }
0x1d: {  	s5 =	simm.s32 @p1 $0x1;
	p0 =	seq.s32 s7, s2  }
0x1e: {  	s7 =	smul.u32 @!p0 $0xF7A, s2;
	p2 =	seq.s32 @!p0 s5, $0x0  }
0x1f: {  	s9 =	smul.u32 $0xF7A, s1;
	s8 =	simm.s32 @!p0 $0x1BF5;
	p2 =	por !p2, p0  }
0x20: {  	[sflag:s8] =	ssyncset.s32 @!p0 $0xFFFFF086;
	s6 =	sadd.s32 @!p0 s3, s7;
	s7 =	simm.s32 @!p0 $0x108  }
0x21: {  	s3 =	sadd.s32 s3, s9;
	s6 =	sadd.s32 @!p0 $0x88, s6;
	s7 =	simm.s32 @p2 $0x1082  }
0x22: {  	[simem:s7], [sflag:s8] =	dma.local @!p0 [hbm:s6], $0xF7A  }
0x23: {  	s9 =	sor.u32 $0xD0000000, s2;
	s6 =	simm.s32 $0x108;
	_ =	swait.ge @!p0 [sflag:s8], $0x0  }
0x24: {  	s3 =	sadd.s32 $0x88, s3;
	s6 =	simm.s32 @!p1 $0x1082;
	[sflag:s4] =	ssyncset.s32 $0xFFFFF086  }
0x25: {  	[simem:s6], [sflag:s4] =	dma.local [hbm:s3], $0xF7A  }
0x26: {  	[smem:$0x3F96] =	sst s1;
	(tag) =	ssettag s2;
	_ =	strace s9  }
0x27: {  	s1 =	sld [smem:$0x3FA6]  }
0x28: {  	s2 =	sld [smem:$0x3FA7]  }
0x29: {  	s4 =	sld [smem:$0x3FA9]  }
0x2a: {  	p0 =	seq.s32 s5, $0x0;
	s5 =	sld [smem:$0x3FAA]  }
0x2b: {  	s6 =	sld [smem:$0x3FAB]  }
0x2c: {  	s7 =	sld [smem:$0x3FAC]  }
0x2d: {  	s3 =	simm.s32 $0x108;
	s8 =	sld [smem:$0x3FAD]  }
0x2e: {  	s3 =	simm.s32 @!p0 $0x1082;
	s9 =	sld [smem:$0x3FAE]  }
0x2f: {  	lr =	sadd.s32 s0, s3;
	s0 =	sld [smem:$0x3FA5]  }
0x30: {  	s3 =	sld [smem:$0x3FA8]  }
0x31: {  	[smem:$0x3FB1] =	sst s10  }
0x32: {  	s10 =	sld [smem:$0x3FAF];
	_ =	sdelay $0x3  }
0x33: {  	p0 =	seq.s32 s10, $0x1;
	s10 =	sld [smem:$0x3FB1];
	_ =	sdelay $0x3  }
0x34: {  	[smem:$0x3FB1] =	sst s10  }
0x35: {  	s10 =	sld [smem:$0x3FB0];
	_ =	sdelay $0x3  }
0x36: {  	p1 =	seq.s32 s10, $0x1;
	s10 =	sld [smem:$0x3FB1];
	_ =	sdelay $0x3  }
0x37: {  	[smem:$0x3FB1] =	sst s10  }
0x38: {  	s10 =	sld [smem:$0x3FB2]  }
0x39: {  	_ = 	snop;
	(pc) =	sbr.ind lr, $3  }
0x3a: {  	_ = 	snop  }
0x3b: {  	_ = 	snop  }
0x3c: {  	p2 =	seq.s32 s10, $0x1;
	s10 =	sld [smem:$0x3FB1]  }
0x3d: {  	_ =	shalt  }
0x3e: {  	_ =	shalt  }
0x3f: {  	_ =	shalt  }
0x40: {  	_ =	shalt  }
0x41: {  	_ =	shalt  }
0x42: {  	_ =	shalt  }
0x43: {  	_ =	shalt  }
0x44: {  	_ =	shalt  }
0x45: {  	_ =	shalt  }
0x46: {  	_ =	shalt  }
0x47: {  	_ =	shalt  }
0x48: {  	_ =	shalt  }
0x49: {  	_ =	shalt  }
0x4a: {  	_ =	shalt  }
0x4b: {  	_ =	shalt  }
0x4c: {  	_ =	shalt  }
0x4d: {  	_ =	shalt  }
0x4e: {  	_ =	shalt  }
0x4f: {  	_ =	shalt  }
0x50: {  	_ =	shalt  }
0x51: {  	_ =	shalt  }
0x52: {  	_ =	shalt  }
0x53: {  	_ =	shalt  }
0x54: {  	_ =	shalt  }
0x55: {  	_ =	shalt  }
0x56: {  	_ =	shalt  }
0x57: {  	_ =	shalt  }
0x58: {  	_ =	shalt  }
0x59: {  	_ =	shalt  }
0x5a: {  	_ =	shalt  }
0x5b: {  	_ =	shalt  }
0x5c: {  	_ =	shalt  }
0x5d: {  	_ =	shalt  }
0x5e: {  	_ =	shalt  }
0x5f: {  	_ =	shalt  }
0x60: {  	_ =	shalt  }
0x61: {  	_ =	shalt  }
0x62: {  	_ =	shalt  }
0x63: {  	_ =	shalt  }
0x64: {  	_ =	shalt  }
0x65: {  	_ =	shalt  }
0x66: {  	_ =	shalt  }
0x67: {  	_ =	shalt  }
0x68: {  	_ =	shalt  }
0x69: {  	_ =	shalt  }
0x6a: {  	_ =	shalt  }
0x6b: {  	_ =	shalt  }
0x6c: {  	_ =	shalt  }
0x6d: {  	_ =	shalt  }
0x6e: {  	_ =	shalt  }
0x6f: {  	_ =	shalt  }
0x70: {  	_ =	shalt  }
0x71: {  	_ =	shalt  }
0x72: {  	_ =	shalt  }
0x73: {  	_ =	shalt  }
0x74: {  	_ =	shalt  }
0x75: {  	_ =	shalt  }
0x76: {  	_ =	shalt  }
0x77: {  	_ =	shalt  }
0x78: {  	_ =	shalt  }
0x79: {  	_ =	shalt  }
0x7a: {  	_ =	shalt  }
0x7b: {  	_ =	shalt  }
0x7c: {  	_ =	shalt  }
0x7d: {  	_ =	shalt  }
0x7e: {  	_ =	shalt  }
0x7f: {  	_ =	shalt  }
0x80: {  	_ =	shalt  }
0x81: {  	_ =	shalt  }
0x82: {  	_ =	shalt  }
0x83: {  	_ =	shalt  }
0x84: {  	_ =	shalt  }
0x85: {  	_ =	shalt  }
0x86: {  	_ =	shalt  }
0x87: {  	_ =	shalt  }
.Lfunc_end0:
.L_simem_size_0:
called_computation.3_lowered:
.L_overlay_start_0:
0x88: {  	s2 =	sld [smem:$0x3FD9]  }
0x89: {  	s3 =	sld [smem:$0x3FFE];
	_ =	sdelay $0x1  }
0x8a: {  	s1 =	srdreg.scid  }
0x8b: {  	s0 =	sand.u32 $0x1, s1  }
0x8c: {  	s14 =	sshll.u32 s0, $0xA;
	s2 =	sadd.s32 s3, s2  }
0x8d: {  	s2 =	sadd.s32 s2, s14  }
0x8e: {  	[smem:$0x3FBD] =	sst s2  }
0x8f: {  	_ = 	snop  }
0x90: {  	s2 =	sld [smem:$0x3FD0];
	_ =	sdelay $0x2  }
0x91: {  	s15 =	simm.s32 $0xB;
	s4 =	simm.s32 $0x10  }
0x92: {  	[smem:s4], [sflag:s15] =	dma.local [hbm:s2], $0x1  }
0x93: {  	_ =	swait.eq [sflag:s15], $0x1  }
0x94: {  	[sflag:s15] =	ssyncset.done $0x0  }
0x95: {  	[sflag:s15] =	ssyncadd.s32 $0xFFFFFFFF  }
0x96: {  	s16 =	sld [smem:$0x12];
	(tm) =	ssettm $0x1  }
0x97: {  	s17 =	sld [smem:$0x3FFB];
	_ =	sdelay $0x3  }
0x98: {  	_ =	strace s17  }
0x99: {  	s3 =	sld [smem:$0x3FFC];
	_ =	sdelay $0x3  }
0x9a: {  	_ =	strace s3  }
0x9b: {  	s3 =	sld [smem:$0x3FFD];
	_ =	sdelay $0x3  }
0x9c: {  	_ =	strace s3  }
0x9d: {  	_ =	strace $0x8FFFFFFF  }
0x9e: {  	s18 =	sld [smem:$0x3FDB];
	_ =	sdelay $0x1  }
0x9f: {  	s19 =	simm.s32 $_scs_section_size  }
0xa0: {  	s5 =	simm.s32 $_size__tile_overlayer_lowered;
	s6 =	simm.s32 $_tile_overlayer_lowered  }
0xa1: {  	s22 =	simm.s32 $0x1BFF;
	s21 =	sshll.u32 s6, $0x1;
	s3 =	sadd.s32 s19, s18  }
0xa2: {  	s7 =	simm.s32 $0x0;
	s20 =	sshll.u32 s5, $0x1;
	s5 =	sadd.s32 s21, s3  }
0xa3: {  	[timem:s7], [sflag:s22] =	dma.local [hbm:s5], s20  }
0xa4: {  	_ =	swait.ge [sflag:s22], s20  }
0xa5: {  	s4 =	ssub.s32 $0x0, s20;
	[sflag:s22] =	ssyncset.done $0x0  }
0xa6: {  	[sflag:s22] =	ssyncadd.s32 s4;
	_ =	sdelay $0x1  }
0xa7: {  	s23 =	simm.s32 $0x1B8B  }
0xa8: {  	_ =	swait.ge [sflag:s23], $0x1  }
0xa9: {  	[sflag:s23] =	ssyncset.done $0x0  }
0xaa: {  	s25 =	simm.s32 $0x1B8E;
	s24 =	sld [smem:$0x3FFE];
	[sflag:s23] =	ssyncadd.s32 $0xFFFFFFFF  }
0xab: {  	s26 =	simm.s32 $execute0_lowered;
	[smem:$0x3FD2] =	sst s25  }
0xac: {  	s5 =	sshll.u32 s26, $0x1;
	_ =	strace $0x80000046;
	[dreg:$0x1] =	wrdreg $0xFFFFFFFF  }
0xad: {  	s28 =	simm.s32 $_size_execute0_lowered;
	s3 =	sadd.s32 s3, s5;
	[dreg:$0x0] =	wrdreg $0x0  }
0xae: {  	s5 =	sshll.u32 s28, $0x1;
	[dreg:$0x2] =	wrdreg s3  }
0xaf: {  	[dreg:$0x3] =	wrdreg s5  }
0xb0: {  	[dreg:$0x4] =	wrdreg $0xC0  }
0xb1: {  	_ =	task [dreg:s7], $0x5FFFF  }
0xb2: {  	[dreg:$0x1] =	wrdreg $0xFFFFFFFF  }
0xb3: {  	[dreg:$0x0] =	wrdreg $0x60  }
0xb4: {  	[dreg:$0x2] =	wrdreg s24  }
0xb5: {  	[dreg:$0x3] =	wrdreg s16  }
0xb6: {  	[dreg:$0x4] =	wrdreg $0x9  }
0xb7: {  	_ =	task.clear_ibuf [dreg:s7], $0x5FFFF;
	_ =	strace $0x90000046  }
0xb8: {  	s29 =	simm.s32 $0x9;
	_ =	strace $0x8000004F  }
0xb9: {  	_ =	swait.ge [sflag:s29], $0x1  }
0xba: {  	[sflag:s29] =	ssyncadd.s32 $0xFFFFFFFF  }
0xbb: {  	_ =	strace $0x9000004F  }
0xbc: {  	_ =	sfence  }
0xbd: {  	s30 =	sld [smem:$0x0];
	_ =	sdelay $0x2  }
0xbe: {  	s31 =	sshll.u32 s1, $0xD;
	s1 =	sshrl.u32 s1, $0x2  }
0xbf: {  	s3 =	sand.u32 $0x4000, s31;
	s1 =	sadd.s32 s1, s30  }
0xc0: {  	s0 =	sor.u32 s3, s0;
	s1 =	sshll.u32 s1, $0x11  }
0xc1: {  	s0 =	sor.u32 s1, s0  }
0xc2: {  	s0 =	sadd.s32 $0x8F2B, s0  }
0xc3: {  	[sflag:s0] =	ssyncadd.remote.s32 $0x1  }
0xc4: {  	_ =	sfence.sel $0xFFFF  }
0xc5: {  	[dreg:$0x0] =	wrdreg $0xFFFFFFFF;
	(pc) =	sbr.abs _section_cstart, $3  }
0xc6: {  	[dreg:$0x1] =	wrdreg $0xFFFFFFFF  }
0xc7: {  	_ =	task.clear_ibuf [dreg:s7], $0x2FFFF;
	_ =	strace $0x9FFFFFFF  }
0xc8: {  	(tm) =	ssettm $0x7FFFFFFF  }
0xc9: {  	_ =	shalt  }
tec
execute0_lowered:
.L_overlay_start_1:
0x0: {  	(tag) =	ssettag $0x1  }
0x1: {  	s5 =	rddreg [dreg:$0x0]  }
0x2: {  	s1 =	rddreg [dreg:$0x1]  }
0x3: {  	s0 =	rddreg [dreg:$0x2];
	s2 =	simm.s32 $0x0  }
0x4: {  	s3 =	srdreg.scid;
	s10 =	simm.s32 $0x5;
	s11 =	simm.s32 $0x0  }
0x5: {  	[smem:$0x7FF] =	sst s2;
	s6 =	sand.u32 $0x1, s3;
	s3 =	stileid.u32  }
0x6: {  	s4 =	sadd.s32 $0x2600, s5;
	s7 =	sshll.u32 s6, $0x4;
	s6 =	ssub.s32 $0x2, s6  }
0x7: {  	s5 =	sadd.s32 $0x30FA00, s5;
	s7 =	sor.u32 s3, s7;
	s8 =	sshrl.u32 s6, $0x1  }
0x8: {  	_ =	strace $0x80000047;
	s9 =	smul.u32 $0xC80, s7;
	s8 =	ssub.s32 s6, s8  }
0x9: {  	[dreg:$0x3] =	wrdreg s5;
	s5 =	smul.u32 $0x64, s7;
	s7 =	smax.u32 s8, $0x1  }
0xa: {  	s8 =	simm.s32 $0x1;
	s6 =	sadd.s32 s1, s9;
	s9 =	simm.s32 $0x80  }
.LBB2_1:
0xb: {  	_ =	strace $0x80000048;
	s12 =	simm.s32 $0x1;
	p0 =	por $0x0, $0x0  }
0xc: {  	[tilespmem:s2], [sflag:$0x2] =	stream.linear.gather [hbm4b:s6+s2], $0x100, $0x200038;
	[tilespmem:$0x10200] =	vst v63  }
0xd: {  	s14 =	simm.s32 $0x63;
	s12 =	simm.s32 @p0 $0x0  }
0xe: {  	p5 =	por $0x1, $0x1;
	p2 =	por $0x1, $0x1;
	p1 =	sne.s32 s12, $0x0  }
0xf: {  	p3 =	por $0x0, $0x0;
	s15 =	simm.s32 $0x62;
	p5 =	por !p5, !p1  }
0x10: {  	s21 =	sand.u32 $0x1, s2;
	p4 =	por p3, p3;
	p3 =	por !p5, !p5  }
0x11: {  	s19 =	simm.s32 $0x0;
	p6 =	por $0x0, $0x0;
	s13 =	sadd.s32 @p3 s5, s12  }
0x12: {  	s22 =	simm.s32 $0x1;
	s16 =	sshll.u32 @p3 s12, $0x8;
	s13 =	sshll.u32 @p3 s13, $0x8  }
0x13: {  	_ =	strace $0x90000048;
	s16 =	sand.u32 @p3 $0x300, s16;
	s13 =	sand.u32 @p3 $0xFFFFFC00, s13  }
0x14: {  	p4 =	por p4, p4;
	s18 =	sand.u32 @p3 $0x1, s8;
	s13 =	sor.u32 @p3 s16, s13  }
0x15: {  	_ =	strace @p3 $0x80000049;
	s20 =	simm.s32 @p3 $0x0;
	s13 =	sshrl.u32 @p3 s13, $0x3  }
0x16: {  	s16 =	sshll.u32 @p3 s18, $0x8;
	s18 =	sor.u32 @p3 $0x2, s18;
	s13 =	sadd.s32 @p3 s1, s13  }
0x17: {  	[tilespmem:s16], [sflag:s18] =	stream.linear.gather @p3 [hbm4b:s13+s20], $0x100, $0x200038;
	[tilespmem:$0x10200] =	vst v63  }
0x18: {  	s25 =	sadd.s32 $0x0, s5;
	p0 =	por p2, p2;
	s13 =	simm.s32 @!p4 $0x0  }
0x19: {  	p2 =	por $0x0, $0x0;
	s13 =	simm.s32 @p4 $0x1;
	p4 =	por p6, p6  }
0x1a: {  	s30 =	sor.u32 $0x2, s21;
	[smem:$0x7FC] =	sst s13;
	s16 =	simm.s32 @!p4 $0x0  }
0x1b: {  	s31 =	sshll.u32 s21, $0xF;
	_ =	strace @p3 $0x90000049;
	s16 =	simm.s32 @p4 $0x1  }
0x1c: {  	s19 =	sand.u32 $0x100, s19;
	_ =	strace $0x8000004A;
	[smem:$0x7FD] =	sst s16  }
0x1d: {  	s17 =	sand.u32 @!p0 $0x1, s2;
	s24 =	sor.u32 $0x200, s31;
	_ =	swait.ge [sflag:s30], $0x100  }
0x1e: {  	p5 =	por p2, p2;
	s18 =	sadd.s32 $0x1, s12;
	[sflag:s30] =	ssyncset.done $0x0  }
0x1f: {  	s20 =	simm.s32 $0x0;
	s13 =	simm.s32 $0x1;
	[sflag:s30] =	ssyncadd.s32 $0xFFFFFF00  }
0x20: {  	p6 =	por p1, p1;
	s13 =	simm.s32 @!p3 $0x0;
	_ =	strace $0x9000004A  }
0x21: {  	p3 =	por p0, p0;
	p0 =	seq.s32 s18, $0x64;
	_ =	strace $0x8000004B  }
0x22: {  	[tilespmem:s24], [sflag:$0x1] =	stream.indirect.gather [hbm4b:s4+s9], $0x80, s19, s9, $0x2000b8;
	[tilespmem:$0x10200] =	vst v63  }
0x23: {  	s16 =	sadd.s32 $0x1, s13;
	s13 =	sor.u32 $0x4200, s31;
	s19 =	sor.u32 $0x80, s19  }
0x24: {  	[tilespmem:s13], [sflag:$0x1] =	stream.indirect.gather [hbm4b:s4+s9], $0x80, s19, s9, $0x2000b8;
	[tilespmem:$0x10200] =	vst v63  }
0x25: {  	p1 =	por $0x0, $0x0;
	s18 =	simm.s32 @p0 $0x0;
	_ =	swait.ge [sflag:s8], $0x4000  }
0x26: {  	p4 =	por $0x1, $0x1;
	p2 =	sne.s32 s12, s18;
	[sflag:s8] =	ssyncset.done $0x0  }
0x27: {  	s22 =	simm.s32 @!p1 $0x0;
	p1 =	por !p4, !p2;
	[sflag:s8] =	ssyncadd.s32 $0xFFFFC000  }
0x28: {  	s13 =	simm.s32 $0x0;
	s19 =	simm.s32 $0x0;
	_ =	swait.ge [sflag:s8], $0x4000  }
.LBB2_2:
0x29: {  	s28 =	sld [smem:$0x7FC]  }
0x2a: {  	s23 =	simm.s32 @!p5 $0x0;
	[sflag:s8] =	ssyncset.done $0x0  }
0x2b: {  	s13 =	sadd.s32 s22, s13;
	s22 =	smov.u32 s15;
	s23 =	simm.s32 @p5 $0x1  }
0x2c: {  	[sflag:s8] =	ssyncadd.s32 $0xFFFFC000;
	[smem:$0x7F9] =	sst s23;
	p0 =	seq.s32 s28, $0x1  }
0x2d: {  	s15 =	sadd.s32 $0xFFFFFFFF, s15;
	_ =	strace $0x9000004B;
	p0 =	por p0, p6  }
0x2e: {  	p4 =	seq.s32 s22, $0x64;
	s25 =	sshll.u32 @p0 s25, $0xC;
	_ =	strace @p0 $0x8000004C  }
0x2f: {  	s21 =	sor.u32 @p0 $0x4, s21;
	s29 =	sand.u32 @p0 $0x1FFFF000, s25;
	s30 =	rddreg [dreg:$0x3]  }
0x30: {  	s25 =	simm.s32 @!p4 $0x0;
	s29 =	sadd.s32 @p0 s30, s29;
	s30 =	sld [smem:$0x7FD]  }
0x31: {  	s31 =	simm.s32 @p0 $0x0;
	s25 =	simm.s32 @p4 $0x1;
	p4 =	sne.s32 s15, $0x0  }
0x32: {  	[hbm4b:s29+s31] =	stream.linear.scatter @p0 [tilespmem:s24], [sflag:s21], $0x8000, $0x200038;
	[tilespmem:$0x10200] =	vst v63  }
0x33: {  	[smem:$0x7FA] =	sst s25;
	s25 =	simm.s32 @!p4 $0x0;
	p6 =	seq.s32 s30, $0x1  }
0x34: {  	s25 =	simm.s32 @p4 $0x1;
	p4 =	por p2, p2;
	p2 =	por p6, p6  }
0x35: {  	s26 =	sand.u32 @!p5 $0x1, s13;
	p5 =	seq.s32 s22, $0x1;
	s30 =	simm.s32 @!p2 $0x0  }
0x36: {  	p6 =	por p5, p5;
	s30 =	simm.s32 @p2 $0x1  }
0x37: {  	p1 =	por !p1, !p1;
	[smem:$0x7FC] =	sst s30;
	s30 =	simm.s32 @!p6 $0x0  }
0x38: {  	s28 =	simm.s32 $0x1;
	[smem:$0x7FB] =	sst s25;
	s30 =	simm.s32 @p6 $0x1  }
0x39: {  	s17 =	sor.u32 @!p3 $0x4, s17;
	s28 =	simm.s32 @!p0 $0x0;
	[smem:$0x7FD] =	sst s30  }
0x3a: {  	s20 =	sadd.s32 s28, s20;
	s21 =	sadd.s32 @p1 s5, s18;
	_ =	strace @p0 $0x9000004C  }
0x3b: {  	s24 =	sshll.u32 @p1 s18, $0x8;
	s21 =	sshll.u32 @p1 s21, $0x8;
	_ =	strace @!p3 $0x8000004D  }
0x3c: {  	s24 =	sand.u32 @p1 $0x300, s24;
	s21 =	sand.u32 @p1 $0xFFFFFC00, s21;
	_ =	swait.ge @!p3 [sflag:s17], $0x8000  }
0x3d: {  	s19 =	sadd.s32 s28, s19;
	s21 =	sor.u32 @p1 s24, s21;
	[sflag:s17] =	ssyncset.done @!p3 $0x0  }
0x3e: {  	s29 =	sand.u32 @p1 $0x1, s16;
	s21 =	sshrl.u32 @p1 s21, $0x3;
	[sflag:s17] =	ssyncadd.s32 @!p3 $0xFFFF8000  }
0x3f: {  	s24 =	sshll.u32 @p1 s29, $0x8;
	s21 =	sadd.s32 @p1 s1, s21;
	_ =	strace @!p3 $0x9000004D  }
0x40: {  	s17 =	sor.u32 @p1 $0x2, s29;
	s29 =	simm.s32 @p1 $0x0;
	_ =	strace @p1 $0x80000049  }
0x41: {  	[tilespmem:s24], [sflag:s17] =	stream.linear.gather @p1 [hbm4b:s21+s29], $0x100, $0x200038;
	[tilespmem:$0x10200] =	vst v63  }
0x42: {  	s28 =	sand.u32 $0x1, s20;
	s21 =	simm.s32 $0x1;
	_ =	strace @p1 $0x90000049  }
0x43: {  	s17 =	smov.u32 s26;
	s26 =	sor.u32 $0x2, s28;
	_ =	strace $0x8000004A  }
0x44: {  	s21 =	simm.s32 @!p1 $0x0;
	_ =	swait.ge [sflag:s26], $0x100  }
0x45: {  	s25 =	sshll.u32 s20, $0x8;
	s16 =	sadd.s32 s21, s16;
	[sflag:s26] =	ssyncset.done $0x0  }
0x46: {  	s21 =	sand.u32 $0x1, s19;
	s28 =	sld [smem:$0x7F9];
	[sflag:s26] =	ssyncadd.s32 $0xFFFFFF00  }
0x47: {  	s30 =	sshll.u32 s21, $0xF;
	s29 =	sld [smem:$0x7FA];
	_ =	strace $0x9000004A  }
0x48: {  	s25 =	sand.u32 $0x100, s25;
	s24 =	sor.u32 $0x200, s30;
	_ =	strace $0x8000004B  }
0x49: {  	[tilespmem:s24], [sflag:$0x1] =	stream.indirect.gather [hbm4b:s4+s9], $0x80, s25, s9, $0x2000b8;
	[tilespmem:$0x10200] =	vst v63  }
0x4a: {  	s26 =	sor.u32 $0x4200, s30;
	s25 =	sor.u32 $0x80, s25  }
0x4b: {  	[tilespmem:s26], [sflag:$0x1] =	stream.indirect.gather [hbm4b:s4+s9], $0x80, s25, s9, $0x2000b8;
	[tilespmem:$0x10200] =	vst v63  }
0x4c: {  	_ =	swait.ge [sflag:s8], $0x4000  }
0x4d: {  	[sflag:s8] =	ssyncset.done $0x0  }
0x4e: {  	s23 =	smov.u32 s12;
	[sflag:s8] =	ssyncadd.s32 $0xFFFFC000  }
0x4f: {  	s12 =	smov.u32 s18;
	s18 =	sadd.s32 $0x1, s18;
	_ =	swait.ge [sflag:s8], $0x4000  }
0x50: {  	p0 =	seq.s32 s18, $0x64;
	s31 =	sld [smem:$0x7FB]  }
0x51: {  	p6 =	por p4, p4;
	p4 =	sne.s32 s22, $0x1;
	s18 =	simm.s32 @p0 $0x0  }
0x52: {  	p0 =	sne.s32 s14, $0x64;
	s14 =	smov.u32 s22;
	s22 =	simm.s32 $0x1  }
0x53: {  	s22 =	simm.s32 @!p0 $0x0;
	p0 =	seq.s32 s31, $0x1  }
.Ltmp0:
0x54: {  	_ = 	snop;
	(pc) =	sbr.rel @p0 .LBB2_2-.Ltmp0, $4  }
0x55: {  	_ = 	snop  }
0x56: {  	p2 =	seq.s32 s29, $0x1  }
0x57: {  	p1 =	seq.s32 s28, $0x1;
	p5 =	por p2, p2;
	p2 =	sne.s32 s12, s18  }
0x58: {  	p3 =	por p1, p1;
	p1 =	por !p4, !p2;
	s25 =	sadd.s32 s5, s23  }
0x59: {  	s14 =	sld [smem:$0x7FC];
	_ =	sdelay $0x1  }
0x5a: {  	[sflag:s8] =	ssyncset.done $0x0  }
0x5b: {  	[sflag:s8] =	ssyncadd.s32 $0xFFFFC000;
	p0 =	seq.s32 s14, $0x1  }
0x5c: {  	_ =	strace $0x9000004B;
	s14 =	simm.s32 $0x1;
	p4 =	por p0, p6  }
0x5d: {  	p0 =	por !p1, !p1;
	_ =	strace @p4 $0x8000004C;
	s23 =	sshll.u32 @p4 s25, $0xC  }
0x5e: {  	s14 =	simm.s32 @!p4 $0x0;
	s15 =	rddreg [dreg:$0x3];
	s23 =	sand.u32 @p4 $0x1FFFF000, s23  }
0x5f: {  	s21 =	sor.u32 @p4 $0x4, s21;
	s15 =	sadd.s32 @p4 s15, s23;
	s23 =	simm.s32 @p4 $0x0  }
0x60: {  	[hbm4b:s15+s23] =	stream.linear.scatter @p4 [tilespmem:s24], [sflag:s21], $0x8000, $0x200038;
	[tilespmem:$0x10200] =	vst v63  }
0x61: {  	s16 =	sand.u32 @p0 $0x1, s16;
	s20 =	sadd.s32 s14, s20;
	_ =	strace @p4 $0x9000004C  }
0x62: {  	s15 =	sor.u32 @!p3 $0x4, s17;
	s17 =	sadd.s32 @p0 s5, s18;
	_ =	strace @!p3 $0x8000004D  }
0x63: {  	s18 =	sshll.u32 @p0 s18, $0x8;
	s17 =	sshll.u32 @p0 s17, $0x8;
	_ =	swait.ge @!p3 [sflag:s15], $0x8000  }
0x64: {  	s18 =	sand.u32 @p0 $0x300, s18;
	s17 =	sand.u32 @p0 $0xFFFFFC00, s17;
	[sflag:s15] =	ssyncset.done @!p3 $0x0  }
0x65: {  	s17 =	sor.u32 @p0 s18, s17;
	s18 =	sshll.u32 @p0 s16, $0x8;
	[sflag:s15] =	ssyncadd.s32 @!p3 $0xFFFF8000  }
0x66: {  	s15 =	sor.u32 @p0 $0x2, s16;
	s16 =	sshrl.u32 @p0 s17, $0x3;
	_ =	strace @!p3 $0x9000004D  }
0x67: {  	s17 =	simm.s32 @p0 $0x0;
	s16 =	sadd.s32 @p0 s1, s16;
	_ =	strace @p0 $0x80000049  }
0x68: {  	[tilespmem:s18], [sflag:s15] =	stream.linear.gather @p0 [hbm4b:s16+s17], $0x100, $0x200038;
	[tilespmem:$0x10200] =	vst v63  }
0x69: {  	s28 =	sand.u32 $0x1, s20;
	_ =	strace @p0 $0x90000049  }
0x6a: {  	s15 =	sor.u32 $0x2, s28;
	_ =	strace $0x8000004A  }
0x6b: {  	_ =	swait.ge [sflag:s15], $0x100  }
0x6c: {  	s14 =	sadd.s32 s14, s19;
	[sflag:s15] =	ssyncset.done $0x0  }
0x6d: {  	s14 =	sand.u32 $0x1, s14;
	[sflag:s15] =	ssyncadd.s32 $0xFFFFFF00  }
0x6e: {  	s29 =	sshll.u32 s20, $0x8;
	s30 =	sshll.u32 s14, $0xF;
	_ =	strace $0x9000004A  }
0x6f: {  	s17 =	sor.u32 $0x200, s30;
	s15 =	sand.u32 $0x100, s29;
	_ =	strace $0x8000004B  }
0x70: {  	[tilespmem:s17], [sflag:$0x1] =	stream.indirect.gather [hbm4b:s4+s9], $0x80, s15, s9, $0x2000b8;
	[tilespmem:$0x10200] =	vst v63  }
0x71: {  	s16 =	sor.u32 $0x4200, s30;
	s15 =	sor.u32 $0x80, s15  }
0x72: {  	[tilespmem:s16], [sflag:$0x1] =	stream.indirect.gather [hbm4b:s4+s9], $0x80, s15, s9, $0x2000b8;
	[tilespmem:$0x10200] =	vst v63  }
0x73: {  	_ =	swait.ge [sflag:s8], $0x4000  }
0x74: {  	[sflag:s8] =	ssyncset.done $0x0  }
0x75: {  	[sflag:s8] =	ssyncadd.s32 $0xFFFFC000  }
0x76: {  	_ =	swait.ge [sflag:s8], $0x4000  }
0x77: {  	s31 =	sld [smem:$0x7FD];
	_ =	sdelay $0x2  }
0x78: {  	[sflag:s8] =	ssyncset.done $0x0;
	p4 =	seq.s32 s31, $0x1  }
0x79: {  	p6 =	por p2, p2;
	[sflag:s8] =	ssyncadd.s32 $0xFFFFC000;
	p0 =	por p4, p4  }
0x7a: {  	s12 =	sadd.s32 s5, s12;
	_ =	strace $0x9000004B;
	p0 =	por p0, p6  }
0x7b: {  	_ =	strace @p0 $0x8000004C;
	s12 =	sshll.u32 @p0 s12, $0xC  }
0x7c: {  	s13 =	sadd.s32 s22, s13;
	s15 =	rddreg [dreg:$0x3];
	s12 =	sand.u32 @p0 $0x1FFFF000, s12  }
0x7d: {  	s14 =	sor.u32 @p0 $0x4, s14;
	s16 =	simm.s32 @p0 $0x0;
	s12 =	sadd.s32 @p0 s15, s12  }
0x7e: {  	[hbm4b:s12+s16] =	stream.linear.scatter @p0 [tilespmem:s17], [sflag:s14], $0x8000, $0x200038;
	[tilespmem:$0x10200] =	vst v63  }
0x7f: {  	p1 =	por p5, p5;
	s12 =	sand.u32 @!p5 $0x1, s13;
	_ =	strace @p0 $0x9000004C  }
0x80: {  	s12 =	sor.u32 @!p1 $0x4, s12;
	_ =	strace @!p1 $0x8000004D  }
0x81: {  	_ =	swait.ge @!p1 [sflag:s12], $0x8000  }
0x82: {  	[sflag:s12] =	ssyncset.done @!p1 $0x0  }
0x83: {  	s11 =	sadd.s32 $0x1, s11;
	[sflag:s12] =	ssyncadd.s32 @!p1 $0xFFFF8000  }
0x84: {  	p0 =	sne.s32 s11, s7;
	_ =	strace @!p1 $0x9000004D  }
.Ltmp1:
0x85: {  	_ =	strace $0x8000004E;
	(pc) =	sbr.rel @p0 .LBB2_1-.Ltmp1, $4  }
0x86: {  	_ =	swait.ge [sflag:s10], $0x8000  }
0x87: {  	[sflag:s10] =	ssyncset.done $0x0  }
0x88: {  	[sflag:s10] =	ssyncadd.s32 $0xFFFF8000  }
0x89: {  	_ =	strace $0x9000004E  }
0x8a: {  	_ =	sfence.sel $0x180000  }
0x8b: {  	[bflag:$0x0] =	sbarrier.arrive $0xFFFF  }
0x8c: {  	p0 =	sne.s32 s3, $0x0;
	_ =	strace $0x90000047  }
0x8d: {  	s0 =	sadd.s32 @!p0 $0x100000, s0;
	[bflag:$0x2] =	sbarrier.arrive $0xFFFF  }
0x8e: {  	[sflag:s0] =	ssyncadd.tile.s32 @!p0 $0x1;
	_ =	shalt  }
.Lfunc_end2:
_tile_overlayer_lowered:
.L_overlay_start_2:
0x8f: {  	(tag) =	ssettag $0x2  }
0x90: {  	s0 =	rddreg [dreg:$0x0];
	s2 =	stileid.u32  }
0x91: {  	s1 =	rddreg [dreg:$0x1];
	p0 =	sne.s32 s2, $0x0  }
0x92: {  	s3 =	rddreg [dreg:$0x2];
	[bflag:$0x3] =	sbarrier.arrive $0xFFFF;
	s2 =	simm.s32 @!p0 $0x1C02  }
0x93: {  	[timem:s3], [sflag:s2] =	dma.local @!p0 [hbm:s0], s1  }
0x94: {  	s0 =	simm.s32 @!p0 $0x2  }
0x95: {  	_ =	swait.ge @!p0 [sflag:s0], s1  }
0x96: {  	s1 =	ssub.s32 @!p0 $0x0, s1;
	[sflag:s0] =	ssyncset.done @!p0 $0x0  }
0x97: {  	[sflag:s0] =	ssyncadd.s32 @!p0 s1  }
0x98: {  	[bflag:$0x3] =	sbarrier.arrive $0xFFFF  }
0x99: {  	_ =	shalt  }

// kernel: sparse-core-data-format-call.1.cloned.1.call-start
scs
called_computation.1_lowered:
.L_overlay_start_0:
0x0: {  	s2 =	sld [smem:$0x3FD9]  }
0x1: {  	s3 =	sld [smem:$0x3FFE];
	_ =	sdelay $0x1  }
0x2: {  	s1 =	srdreg.scid  }
0x3: {  	s0 =	sand.u32 $0x1, s1  }
0x4: {  	s16 =	sshll.u32 s0, $0xA;
	s2 =	sadd.s32 s3, s2  }
0x5: {  	s2 =	sadd.s32 s2, s16  }
0x6: {  	[smem:$0x3FBD] =	sst s2  }
0x7: {  	_ = 	snop  }
0x8: {  	s2 =	sld [smem:$0x3FD0];
	_ =	sdelay $0x2  }
0x9: {  	s17 =	simm.s32 $0xB;
	s4 =	simm.s32 $0x10  }
0xa: {  	[smem:s4], [sflag:s17] =	dma.local [hbm:s2], $0x1  }
0xb: {  	_ =	swait.eq [sflag:s17], $0x1  }
0xc: {  	[sflag:s17] =	ssyncset.done $0x0  }
0xd: {  	[sflag:s17] =	ssyncadd.s32 $0xFFFFFFFF  }
0xe: {  	s18 =	sld [smem:$0x11];
	(tm) =	ssettm $0x1  }
0xf: {  	s19 =	sld [smem:$0x3FFB];
	_ =	sdelay $0x3  }
0x10: {  	_ =	strace s19  }
0x11: {  	s2 =	sld [smem:$0x3FFC];
	_ =	sdelay $0x3  }
0x12: {  	_ =	strace s2  }
0x13: {  	s2 =	sld [smem:$0x3FFD];
	_ =	sdelay $0x3  }
0x14: {  	_ =	strace s2  }
0x15: {  	_ =	strace $0x8FFFFFFF  }
0x16: {  	s20 =	sld [smem:$0x3FDB];
	_ =	sdelay $0x1  }
0x17: {  	s21 =	simm.s32 $_scs_section_size  }
0x18: {  	s5 =	simm.s32 $_size__tile_overlayer_lowered;
	s6 =	simm.s32 $_tile_overlayer_lowered  }
0x19: {  	s7 =	simm.s32 $0x1BFF;
	s22 =	sshll.u32 s6, $0x1;
	s4 =	sadd.s32 s21, s20  }
0x1a: {  	s23 =	simm.s32 $0x0;
	s5 =	sshll.u32 s5, $0x1;
	s6 =	sadd.s32 s22, s4  }
0x1b: {  	[timem:s23], [sflag:s7] =	dma.local [hbm:s6], s5  }
0x1c: {  	_ =	swait.ge [sflag:s7], s5  }
0x1d: {  	s5 =	ssub.s32 $0x0, s5;
	[sflag:s7] =	ssyncset.done $0x0  }
0x1e: {  	[sflag:s7] =	ssyncadd.s32 s5;
	_ =	sdelay $0x1  }
0x1f: {  	s24 =	simm.s32 $0x1B8B  }
0x20: {  	_ =	swait.ge [sflag:s24], $0x1  }
0x21: {  	[sflag:s24] =	ssyncset.done $0x0  }
0x22: {  	[sflag:s24] =	ssyncadd.s32 $0xFFFFFFFF  }
0x23: {  	s5 =	sld [smem:$0x0]  }
0x24: {  	s6 =	sand.u32 $0xFFFFFFFE, s1  }
0x25: {  	p0 =	sne.s32 s1, s6  }
0x26: {  	s6 =	sshll.u32 @p0 s6, $0xE  }
0x27: {  	s6 =	sadd.s32 @p0 $0x11B8D, s6;
	s7 =	sshll.u32 @p0 s5, $0x11  }
0x28: {  	s6 =	sor.u32 @p0 s7, s6  }
0x29: {  	[sflag:s6] =	ssyncadd.remote.s32 @p0 $0x1;
	_ =	sdelay $0x1  }
0x2a: {  	s6 =	simm.s32 @p0 $0x1B8D  }
0x2b: {  	_ =	swait.eq @p0 [sflag:s6], $0x1  }
0x2c: {  	[sflag:s6] =	ssyncadd.s32 @p0 $0xFFFFFFFF  }
0x2d: {  	s7 =	sshll.u32 @!p0 s1, $0xE  }
0x2e: {  	s7 =	sor.u32 @!p0 $0x4000, s7;
	s6 =	simm.s32 @!p0 $0x1B8D  }
0x2f: {  	s5 =	sshll.u32 @!p0 s5, $0x11;
	s7 =	sadd.s32 @!p0 $0x11B8D, s7;
	_ =	swait.eq @!p0 [sflag:s6], $0x1  }
0x30: {  	s5 =	sor.u32 @!p0 s5, s7;
	[sflag:s6] =	ssyncadd.s32 @!p0 $0xFFFFFFFF  }
0x31: {  	s26 =	simm.s32 $0x1B8E;
	s25 =	sld [smem:$0x3FFE];
	[sflag:s5] =	ssyncadd.remote.s32 @!p0 $0x1  }
0x32: {  	s27 =	simm.s32 $execute0_lowered;
	[smem:$0x3FD2] =	sst s26  }
0x33: {  	s6 =	sshll.u32 s27, $0x1;
	_ =	strace $0x8000005D;
	[dreg:$0x1] =	wrdreg $0xFFFFFFFF  }
0x34: {  	s28 =	simm.s32 $_size_execute0_lowered;
	s4 =	sadd.s32 s4, s6;
	[dreg:$0x0] =	wrdreg $0x0  }
0x35: {  	s6 =	sshll.u32 s28, $0x1;
	[dreg:$0x2] =	wrdreg s4  }
0x36: {  	[dreg:$0x3] =	wrdreg s6  }
0x37: {  	[dreg:$0x4] =	wrdreg $0xC0  }
0x38: {  	_ =	task [dreg:s23], $0x5FFFF  }
0x39: {  	[dreg:$0x1] =	wrdreg $0xFFFFFFFF  }
0x3a: {  	[dreg:$0x0] =	wrdreg $0x60  }
0x3b: {  	[dreg:$0x2] =	wrdreg s25  }
0x3c: {  	[dreg:$0x3] =	wrdreg s18  }
0x3d: {  	[dreg:$0x4] =	wrdreg $0xA  }
0x3e: {  	_ =	task.clear_ibuf [dreg:s23], $0x5FFFF;
	_ =	strace $0x9000005D  }
0x3f: {  	s29 =	simm.s32 $0xA;
	_ =	strace $0x8000005F  }
0x40: {  	_ =	swait.ge [sflag:s29], $0x1  }
0x41: {  	[sflag:s29] =	ssyncadd.s32 $0xFFFFFFFF  }
0x42: {  	_ =	strace $0x9000005F  }
0x43: {  	_ =	sfence  }
0x44: {  	s30 =	sld [smem:$0x0];
	_ =	sdelay $0x2  }
0x45: {  	s31 =	sshll.u32 s1, $0xD;
	s1 =	sshrl.u32 s1, $0x2  }
0x46: {  	s4 =	sand.u32 $0x4000, s31;
	s1 =	sadd.s32 s1, s30  }
0x47: {  	s0 =	sor.u32 s4, s0;
	s1 =	sshll.u32 s1, $0x11  }
0x48: {  	s0 =	sor.u32 s1, s0  }
0x49: {  	s0 =	sadd.s32 $0x8F2B, s0  }
0x4a: {  	[sflag:s0] =	ssyncadd.remote.s32 $0x1  }
0x4b: {  	_ =	sfence.sel $0xFFFF  }
0x4c: {  	[dreg:$0x0] =	wrdreg $0xFFFFFFFF;
	(pc) =	sbr.abs _section_cstart, $3  }
0x4d: {  	[dreg:$0x1] =	wrdreg $0xFFFFFFFF  }
0x4e: {  	_ =	task.clear_ibuf [dreg:s23], $0x2FFFF;
	_ =	strace $0x9FFFFFFF  }
0x4f: {  	(tm) =	ssettm $0x7FFFFFFF  }
tec
execute0_lowered:
.L_overlay_start_1:
0x0: {  	(tag) =	ssettag $0x1  }
0x1: {  	s0 =	srdreg.scid  }
0x2: {  	s1 =	sshll.u32 s0, $0x4  }
0x3: {  	s0 =	stileid.u32;
	s1 =	sand.u32 $0x10, s1  }
0x4: {  	s1 =	sor.u32 s0, s1  }
0x5: {  	s6 =	rddreg [dreg:$0x0];
	s4 =	simm.s32 $0x1;
	s2 =	sshll.u32 s1, $0x7  }
0x6: {  	s7 =	simm.s32 $0x2;
	s12 =	simm.s32 $0x0;
	s1 =	ssub.s32 $0x1000, s2  }
0x7: {  	s8 =	simm.s32 $0x8000;
	s13 =	simm.s32 $0x0;
	s3 =	sand.u32 $0xF80, s1  }
0x8: {  	s9 =	simm.s32 $0x0;
	s5 =	sshrl.u32 s1, $0xC;
	p0 =	sne.s32 s3, $0x0  }
.Ltmp0:
0x9: {  	s1 =	rddreg [dreg:$0x2];
	s4 =	simm.s32 @!p0 $0x0;
	(pc) =	sbr.rel .LBB1_1-.Ltmp0, $4  }
0xa: {  	s11 =	simm.s32 $0x0;
	s3 =	rddreg [dreg:$0x1];
	s5 =	sadd.s32 s4, s5  }
0xb: {  	_ =	strace $0x8000005E;
	s4 =	simm.s32 $0x1;
	s5 =	smul.u32 $0xC8, s5  }
0xc: {  	s6 =	sadd.s32 $0xF8FA00, s6;
	s10 =	smov.u32 s2;
	[sflag:s4] =	ssyncpa.u1 $0x0  }
0xd: {  	p0 =	por $0x0, $0x0;
	[sflag:s7] =	ssyncpa.u1 $0x0;
	s7 =	sor.u32 $0x1, s5  }
.LBB1_4:
0xe: {  	s16 =	sshll.u32 s13, $0x3;
	s17 =	sand.u32 $0x78, s13  }
0xf: {  	s30 =	sand.u32 $0x7E00, s13;
	s12 =	sshll.u32 s12, $0xF;
	s16 =	sand.u32 $0xC00, s16  }
0x10: {  	[tilespmem:s15+$0x810 ss:$0x81] =	vst.msk $0xffff, v2;
	s31 =	sand.u32 $0x7, s13;
	s16 =	sor.u32 s17, s16;
	s17 =	sadd.s32 s3, s30  }
0x11: {  	[tilespmem:s15+$0x1020 ss:$0x81] =	vst.msk $0xffff, v0;
	s13 =	sshll.u32 s31, $0x12;
	s12 =	sadd.s32 s12, s17;
	s16 =	sshrl.u32 s16, $0x3  }
0x12: {  	[tilespmem:s15+$0x0 ss:$0x81] =	vst.msk $0xffff, v1;
	s13 =	sor.u32 $0x400, s13;
	s12 =	sadd.s32 s16, s12  }
0x13: {  	[hbm4b:s12+s13] =	stream.strided.scatter [tilespmem:s14], [sflag:$0x2], $0x2000, s8, s13, $0x20;
	[tilespmem:$0x8080] =	vst v63  }
.LBB1_5:
0x14: {  	s14 =	sadd.s32 $0x1, s9  }
0x15: {  	s12 =	sadd.s32 $0x1000, s10;
	s16 =	smov.u32 s10;
	p2 =	sgt.s32 s14, $0xC7  }
0x16: {  	s16 =	smov.u32 @p2 s12  }
0x17: {  	s14 =	simm.s32 @p2 $0x0;
	p2 =	sgt.s32 s16, $0xFFF  }
0x18: {  	s16 =	smov.u32 @p2 s2;
	p2 =	sne.s32 s11, s7  }
.Ltmp1:
0x19: {  	p1 =	slt.u32 s11, $0x2;
	(pc) =	sbr.rel @!p2 .LBB1_6-.Ltmp1, $4  }
0x1a: {  	s15 =	simm.s32 @!p1 $0x2  }
0x1b: {  	s13 =	smov.u32 s10;
	p0 =	por !p0, !p0;
	_ =	swait.ge @!p1 [sflag:s15], $0x2000  }
0x1c: {  	s12 =	smov.u32 s9;
	[sflag:s15] =	ssyncset.done @!p1 $0x0;
	s9 =	smov.u32 s14  }
0x1d: {  	s11 =	sadd.s32 $0x1, s11;
	[sflag:s15] =	ssyncadd.s32 @!p1 $0xFFFFE000;
	s10 =	smov.u32 s16  }
.LBB1_1:
0x1e: {  	p1 =	sge.u32 s11, s5  }
0x1f: {  	s14 =	sand.u32 @!p1 $0x1FFFFFF, s9  }
0x20: {  	s15 =	smulhi.u32 @!p1 $0x147AE15, s14;
	_ =	sdelay $0x1  }
0x21: {  	s15 =	smul.u32 @!p1 $0xC8, s15  }
0x22: {  	s16 =	sxor.u32 @!p1 $0xFFFFFFFF, s11;
	s17 =	smul.u32 @!p1 $0xC80, s10  }
0x23: {  	s31 =	sadd.s32 $0xFFFFFFFF, s11;
	s16 =	sshll.u32 @!p1 s16, $0xD;
	s14 =	ssub.s32 @!p1 s14, s15  }
0x24: {  	s15 =	sand.u32 @!p1 $0x2000, s16;
	s16 =	sadd.s32 @!p1 s6, s17;
	s14 =	sshll.u32 @!p1 s14, $0x4  }
0x25: {  	s17 =	simm.s32 @!p1 $0x6400;
	s14 =	sadd.s32 @!p1 s14, s16;
	s16 =	simm.s32 @!p1 $0x40  }
0x26: {  	[tilespmem:s15], [sflag:$0x1] =	stream.strided.gather @!p1 [hbm4b:s14+s16], $0x2000, s17, s16, $0x38;
	[tilespmem:$0x8080] =	vst v63  }
0x27: {  	p1 =	sge.u32 s31, s5  }
.Ltmp2:
0x28: {  	_ = 	snop;
	(pc) =	sbr.rel @p1 .LBB1_5-.Ltmp2, $1  }
0x29: {  	_ =	sdelay $0x3  }
0x2a: {  	s14 =	simm.s32 $0x1  }
0x2b: {  	_ =	swait.ge [sflag:s4], $0x2000;
	s14 =	simm.s32 @!p0 $0x0  }
0x2c: {  	[sflag:s4] =	ssyncset.done $0x0;
	s15 =	sshll.u32 s14, $0xD  }
0x2d: {  	[sflag:s4] =	ssyncadd.s32 $0xFFFFE000;
	s18 =	sor.u32 $0x20, s15  }
0x2e: {  	s14 =	smul.u32 $0x8100, s14;
	v3 =	vld [tilespmem:s18+$0x10]  }
0x2f: {  	s30 =	sand.u32 $0x1, s11;
	v2 =	vld [tilespmem:s18+$0xFFFFFFF0]  }
0x30: {  	s15 =	smul.u32 $0x8100, s30;
	s14 =	sshrl.u32 s14, $0x2;
	v0 =	vld [tilespmem:s18+$0x0]  }
0x31: {  	v1 =	vld [tilespmem:s18+$0xFFFFFFE0];
	s16 =	sor.u32 $0x4000, s14  }
0x32: {  	s31 =	sshrl.u32 s15, $0x2;
	s15 =	sadd.s32 $0x0, s16  }
0x33: {  	s17 =	simm.s32 $0x4;
	s18 =	sadd.s32 $0x40, s18;
	s14 =	sor.u32 $0x4000, s31;
	[tilespmem:s15+$0x1830 ss:$0x81] =	vst.msk $0xffff, v3  }
.LBB1_3:
0x34: {  	v3 =	vld [tilespmem:s18+$0x10];
	p1 =	sne.s32 s17, $0x1FC;
	[tilespmem:s15+$0x810 ss:$0x81] =	vst.msk $0xffff, v2;
	s19 =	smov.u32 s17;
	s17 =	sadd.s32 $0x4, s17  }
.Ltmp3:
0x35: {  	v2 =	vld [tilespmem:s18+$0xFFFFFFF0];
	[tilespmem:s15+$0x1020 ss:$0x81] =	vst.msk $0xffff, v0;
	(pc) =	sbr.rel @p1 .LBB1_3-.Ltmp3, $4  }
0x36: {  	v0 =	vld [tilespmem:s18+$0x0];
	[tilespmem:s15+$0x0 ss:$0x81] =	vst.msk $0xffff, v1  }
0x37: {  	s15 =	sshra.s32 s19, $0x2;
	v1 =	vld [tilespmem:s18+$0xFFFFFFE0]  }
0x38: {  	s15 =	sadd.s32 s15, s16  }
0x39: {  	s18 =	sadd.s32 $0x40, s18;
	[tilespmem:s15+$0x1830 ss:$0x81] =	vst.msk $0xffff, v3  }
.Ltmp4:
0x3a: {  	_ = 	snop;
	(pc) =	sbr.rel .LBB1_4-.Ltmp4, $1  }
0x3b: {  	_ =	sdelay $0x3  }
.LBB1_6:
0x3c: {  	_ =	sfence.sel $0x180000  }
0x3d: {  	s2 =	simm.s32 $0x1;
	[bflag:$0x0] =	sbarrier.arrive $0xFFFF  }
0x3e: {  	s31 =	simm.s32 $0x2;
	[sflag:s2] =	ssyncpa.u1 $0x1  }
0x3f: {  	[sflag:s31] =	ssyncpa.u1 $0x1  }
0x40: {  	p0 =	sne.s32 s0, $0x0;
	_ =	strace $0x9000005E  }
0x41: {  	s0 =	sadd.s32 @!p0 $0x100000, s1;
	[bflag:$0x2] =	sbarrier.arrive $0xFFFF  }
0x42: {  	[sflag:s0] =	ssyncadd.tile.s32 @!p0 $0x1;
	_ =	shalt  }
.Lfunc_end1:
_tile_overlayer_lowered:
.L_overlay_start_2:
0x43: {  	(tag) =	ssettag $0x2  }
0x44: {  	s0 =	rddreg [dreg:$0x0];
	s2 =	stileid.u32  }
0x45: {  	s1 =	rddreg [dreg:$0x1];
	p0 =	sne.s32 s2, $0x0  }
0x46: {  	s3 =	rddreg [dreg:$0x2];
	[bflag:$0x3] =	sbarrier.arrive $0xFFFF;
	s2 =	simm.s32 @!p0 $0x1C01  }
0x47: {  	[timem:s3], [sflag:s2] =	dma.local @!p0 [hbm:s0], s1  }
0x48: {  	s0 =	simm.s32 @!p0 $0x1  }
0x49: {  	_ =	swait.ge @!p0 [sflag:s0], s1  }
0x4a: {  	s1 =	ssub.s32 @!p0 $0x0, s1;
	[sflag:s0] =	ssyncset.done @!p0 $0x0  }
0x4b: {  	[sflag:s0] =	ssyncadd.s32 @!p0 s1  }
0x4c: {  	[bflag:$0x3] =	sbarrier.arrive $0xFFFF  }
0x4d: {  	_ =	shalt  }

// kernel: sparse-core-data-format-call.cloned.1.call-start
scs
called_computation_lowered:
.L_overlay_start_0:
0x0: {  	s2 =	sld [smem:$0x3FD9]  }
0x1: {  	s3 =	sld [smem:$0x3FFE];
	_ =	sdelay $0x1  }
0x2: {  	s1 =	srdreg.scid  }
0x3: {  	s0 =	sand.u32 $0x1, s1  }
0x4: {  	s16 =	sshll.u32 s0, $0xA;
	s2 =	sadd.s32 s3, s2  }
0x5: {  	s2 =	sadd.s32 s2, s16  }
0x6: {  	[smem:$0x3FBD] =	sst s2  }
0x7: {  	_ = 	snop  }
0x8: {  	s2 =	sld [smem:$0x3FD0];
	_ =	sdelay $0x2  }
0x9: {  	s17 =	simm.s32 $0xB;
	s4 =	simm.s32 $0x10  }
0xa: {  	[smem:s4], [sflag:s17] =	dma.local [hbm:s2], $0x1  }
0xb: {  	_ =	swait.eq [sflag:s17], $0x1  }
0xc: {  	[sflag:s17] =	ssyncset.done $0x0  }
0xd: {  	[sflag:s17] =	ssyncadd.s32 $0xFFFFFFFF  }
0xe: {  	s18 =	sld [smem:$0x12];
	(tm) =	ssettm $0x1  }
0xf: {  	s19 =	sld [smem:$0x3FFB];
	_ =	sdelay $0x3  }
0x10: {  	_ =	strace s19  }
0x11: {  	s2 =	sld [smem:$0x3FFC];
	_ =	sdelay $0x3  }
0x12: {  	_ =	strace s2  }
0x13: {  	s2 =	sld [smem:$0x3FFD];
	_ =	sdelay $0x3  }
0x14: {  	_ =	strace s2  }
0x15: {  	_ =	strace $0x8FFFFFFF  }
0x16: {  	s20 =	sld [smem:$0x3FDB];
	_ =	sdelay $0x1  }
0x17: {  	s21 =	simm.s32 $_scs_section_size  }
0x18: {  	s5 =	simm.s32 $_size__tile_overlayer_lowered;
	s6 =	simm.s32 $_tile_overlayer_lowered  }
0x19: {  	s7 =	simm.s32 $0x1BFF;
	s22 =	sshll.u32 s6, $0x1;
	s4 =	sadd.s32 s21, s20  }
0x1a: {  	s23 =	simm.s32 $0x0;
	s5 =	sshll.u32 s5, $0x1;
	s6 =	sadd.s32 s22, s4  }
0x1b: {  	[timem:s23], [sflag:s7] =	dma.local [hbm:s6], s5  }
0x1c: {  	_ =	swait.ge [sflag:s7], s5  }
0x1d: {  	s5 =	ssub.s32 $0x0, s5;
	[sflag:s7] =	ssyncset.done $0x0  }
0x1e: {  	[sflag:s7] =	ssyncadd.s32 s5;
	_ =	sdelay $0x1  }
0x1f: {  	s24 =	simm.s32 $0x1B8B  }
0x20: {  	_ =	swait.ge [sflag:s24], $0x1  }
0x21: {  	[sflag:s24] =	ssyncset.done $0x0  }
0x22: {  	[sflag:s24] =	ssyncadd.s32 $0xFFFFFFFF  }
0x23: {  	s5 =	sld [smem:$0x0]  }
0x24: {  	s6 =	sand.u32 $0xFFFFFFFE, s1  }
0x25: {  	p0 =	sne.s32 s1, s6  }
0x26: {  	s6 =	sshll.u32 @p0 s6, $0xE  }
0x27: {  	s6 =	sadd.s32 @p0 $0x11B8D, s6;
	s7 =	sshll.u32 @p0 s5, $0x11  }
0x28: {  	s6 =	sor.u32 @p0 s7, s6  }
0x29: {  	[sflag:s6] =	ssyncadd.remote.s32 @p0 $0x1;
	_ =	sdelay $0x1  }
0x2a: {  	s6 =	simm.s32 @p0 $0x1B8D  }
0x2b: {  	_ =	swait.eq @p0 [sflag:s6], $0x1  }
0x2c: {  	[sflag:s6] =	ssyncadd.s32 @p0 $0xFFFFFFFF  }
0x2d: {  	s7 =	sshll.u32 @!p0 s1, $0xE  }
0x2e: {  	s7 =	sor.u32 @!p0 $0x4000, s7;
	s6 =	simm.s32 @!p0 $0x1B8D  }
0x2f: {  	s5 =	sshll.u32 @!p0 s5, $0x11;
	s7 =	sadd.s32 @!p0 $0x11B8D, s7;
	_ =	swait.eq @!p0 [sflag:s6], $0x1  }
0x30: {  	s5 =	sor.u32 @!p0 s5, s7;
	[sflag:s6] =	ssyncadd.s32 @!p0 $0xFFFFFFFF  }
0x31: {  	s26 =	simm.s32 $0x1B8E;
	s25 =	sld [smem:$0x3FFE];
	[sflag:s5] =	ssyncadd.remote.s32 @!p0 $0x1  }
0x32: {  	s27 =	simm.s32 $execute0_lowered;
	[smem:$0x3FD2] =	sst s26  }
0x33: {  	s6 =	sshll.u32 s27, $0x1;
	_ =	strace $0x8000005A;
	[dreg:$0x1] =	wrdreg $0xFFFFFFFF  }
0x34: {  	s28 =	simm.s32 $_size_execute0_lowered;
	s4 =	sadd.s32 s4, s6;
	[dreg:$0x0] =	wrdreg $0x0  }
0x35: {  	s6 =	sshll.u32 s28, $0x1;
	[dreg:$0x2] =	wrdreg s4  }
0x36: {  	[dreg:$0x3] =	wrdreg s6  }
0x37: {  	[dreg:$0x4] =	wrdreg $0xC0  }
0x38: {  	_ =	task [dreg:s23], $0x5FFFF  }
0x39: {  	[dreg:$0x1] =	wrdreg $0xFFFFFFFF  }
0x3a: {  	[dreg:$0x0] =	wrdreg $0x60  }
0x3b: {  	[dreg:$0x2] =	wrdreg s25  }
0x3c: {  	[dreg:$0x3] =	wrdreg s18  }
0x3d: {  	[dreg:$0x4] =	wrdreg $0x9  }
0x3e: {  	_ =	task.clear_ibuf [dreg:s23], $0x5FFFF;
	_ =	strace $0x9000005A  }
0x3f: {  	s29 =	simm.s32 $0x9;
	_ =	strace $0x8000005C  }
0x40: {  	_ =	swait.ge [sflag:s29], $0x1  }
0x41: {  	[sflag:s29] =	ssyncadd.s32 $0xFFFFFFFF  }
0x42: {  	_ =	strace $0x9000005C  }
0x43: {  	_ =	sfence  }
0x44: {  	s30 =	sld [smem:$0x0];
	_ =	sdelay $0x2  }
0x45: {  	s31 =	sshll.u32 s1, $0xD;
	s1 =	sshrl.u32 s1, $0x2  }
0x46: {  	s4 =	sand.u32 $0x4000, s31;
	s1 =	sadd.s32 s1, s30  }
0x47: {  	s0 =	sor.u32 s4, s0;
	s1 =	sshll.u32 s1, $0x11  }
0x48: {  	s0 =	sor.u32 s1, s0  }
0x49: {  	s0 =	sadd.s32 $0x8F2B, s0  }
0x4a: {  	[sflag:s0] =	ssyncadd.remote.s32 $0x1  }
0x4b: {  	_ =	sfence.sel $0xFFFF  }
0x4c: {  	[dreg:$0x0] =	wrdreg $0xFFFFFFFF;
	(pc) =	sbr.abs _section_cstart, $3  }
0x4d: {  	[dreg:$0x1] =	wrdreg $0xFFFFFFFF  }
0x4e: {  	_ =	task.clear_ibuf [dreg:s23], $0x2FFFF;
	_ =	strace $0x9FFFFFFF  }
0x4f: {  	(tm) =	ssettm $0x7FFFFFFF  }
tec
execute0_lowered:
.L_overlay_start_1:
0x0: {  	(tag) =	ssettag $0x1  }
0x1: {  	s0 =	srdreg.scid  }
0x2: {  	s1 =	sshll.u32 s0, $0x4  }
0x3: {  	s0 =	stileid.u32;
	s1 =	sand.u32 $0x10, s1  }
0x4: {  	s1 =	sor.u32 s0, s1  }
0x5: {  	s6 =	rddreg [dreg:$0x0];
	s4 =	simm.s32 $0x1;
	s2 =	sshll.u32 s1, $0x7  }
0x6: {  	s7 =	simm.s32 $0x2;
	s12 =	simm.s32 $0x0;
	s1 =	ssub.s32 $0x1000, s2  }
0x7: {  	s8 =	simm.s32 $0x8000;
	s13 =	simm.s32 $0x0;
	s3 =	sand.u32 $0xF80, s1  }
0x8: {  	s9 =	simm.s32 $0x0;
	s5 =	sshrl.u32 s1, $0xC;
	p0 =	sne.s32 s3, $0x0  }
.Ltmp0:
0x9: {  	s1 =	rddreg [dreg:$0x2];
	s4 =	simm.s32 @!p0 $0x0;
	(pc) =	sbr.rel .LBB1_1-.Ltmp0, $4  }
0xa: {  	s11 =	simm.s32 $0x0;
	s3 =	rddreg [dreg:$0x1];
	s5 =	sadd.s32 s4, s5  }
0xb: {  	_ =	strace $0x8000005B;
	s4 =	simm.s32 $0x1;
	s5 =	smul.u32 $0xC8, s5  }
0xc: {  	s6 =	sadd.s32 $0x30FA00, s6;
	s10 =	smov.u32 s2;
	[sflag:s4] =	ssyncpa.u1 $0x0  }
0xd: {  	p0 =	por $0x0, $0x0;
	[sflag:s7] =	ssyncpa.u1 $0x0;
	s7 =	sor.u32 $0x1, s5  }
.LBB1_4:
0xe: {  	s16 =	sshll.u32 s13, $0x3;
	s17 =	sand.u32 $0x78, s13  }
0xf: {  	s30 =	sand.u32 $0x7E00, s13;
	s12 =	sshll.u32 s12, $0xF;
	s16 =	sand.u32 $0xC00, s16  }
0x10: {  	[tilespmem:s15+$0x810 ss:$0x81] =	vst.msk $0xffff, v2;
	s31 =	sand.u32 $0x7, s13;
	s16 =	sor.u32 s17, s16;
	s17 =	sadd.s32 s3, s30  }
0x11: {  	[tilespmem:s15+$0x1020 ss:$0x81] =	vst.msk $0xffff, v0;
	s13 =	sshll.u32 s31, $0x12;
	s12 =	sadd.s32 s12, s17;
	s16 =	sshrl.u32 s16, $0x3  }
0x12: {  	[tilespmem:s15+$0x0 ss:$0x81] =	vst.msk $0xffff, v1;
	s13 =	sor.u32 $0x400, s13;
	s12 =	sadd.s32 s16, s12  }
0x13: {  	[hbm4b:s12+s13] =	stream.strided.scatter [tilespmem:s14], [sflag:$0x2], $0x2000, s8, s13, $0x20;
	[tilespmem:$0x8080] =	vst v63  }
.LBB1_5:
0x14: {  	s14 =	sadd.s32 $0x1, s9  }
0x15: {  	s12 =	sadd.s32 $0x1000, s10;
	s16 =	smov.u32 s10;
	p2 =	sgt.s32 s14, $0xC7  }
0x16: {  	s16 =	smov.u32 @p2 s12  }
0x17: {  	s14 =	simm.s32 @p2 $0x0;
	p2 =	sgt.s32 s16, $0xFFF  }
0x18: {  	s16 =	smov.u32 @p2 s2;
	p2 =	sne.s32 s11, s7  }
.Ltmp1:
0x19: {  	p1 =	slt.u32 s11, $0x2;
	(pc) =	sbr.rel @!p2 .LBB1_6-.Ltmp1, $4  }
0x1a: {  	s15 =	simm.s32 @!p1 $0x2  }
0x1b: {  	s13 =	smov.u32 s10;
	p0 =	por !p0, !p0;
	_ =	swait.ge @!p1 [sflag:s15], $0x2000  }
0x1c: {  	s12 =	smov.u32 s9;
	[sflag:s15] =	ssyncset.done @!p1 $0x0;
	s9 =	smov.u32 s14  }
0x1d: {  	s11 =	sadd.s32 $0x1, s11;
	[sflag:s15] =	ssyncadd.s32 @!p1 $0xFFFFE000;
	s10 =	smov.u32 s16  }
.LBB1_1:
0x1e: {  	p1 =	sge.u32 s11, s5  }
0x1f: {  	s14 =	sand.u32 @!p1 $0x1FFFFFF, s9  }
0x20: {  	s15 =	smulhi.u32 @!p1 $0x147AE15, s14;
	_ =	sdelay $0x1  }
0x21: {  	s15 =	smul.u32 @!p1 $0xC8, s15  }
0x22: {  	s16 =	sxor.u32 @!p1 $0xFFFFFFFF, s11;
	s17 =	smul.u32 @!p1 $0xC80, s10  }
0x23: {  	s31 =	sadd.s32 $0xFFFFFFFF, s11;
	s16 =	sshll.u32 @!p1 s16, $0xD;
	s14 =	ssub.s32 @!p1 s14, s15  }
0x24: {  	s15 =	sand.u32 @!p1 $0x2000, s16;
	s16 =	sadd.s32 @!p1 s6, s17;
	s14 =	sshll.u32 @!p1 s14, $0x4  }
0x25: {  	s17 =	simm.s32 @!p1 $0x6400;
	s14 =	sadd.s32 @!p1 s14, s16;
	s16 =	simm.s32 @!p1 $0x40  }
0x26: {  	[tilespmem:s15], [sflag:$0x1] =	stream.strided.gather @!p1 [hbm4b:s14+s16], $0x2000, s17, s16, $0x38;
	[tilespmem:$0x8080] =	vst v63  }
0x27: {  	p1 =	sge.u32 s31, s5  }
.Ltmp2:
0x28: {  	_ = 	snop;
	(pc) =	sbr.rel @p1 .LBB1_5-.Ltmp2, $1  }
0x29: {  	_ =	sdelay $0x3  }
0x2a: {  	s14 =	simm.s32 $0x1  }
0x2b: {  	_ =	swait.ge [sflag:s4], $0x2000;
	s14 =	simm.s32 @!p0 $0x0  }
0x2c: {  	[sflag:s4] =	ssyncset.done $0x0;
	s15 =	sshll.u32 s14, $0xD  }
0x2d: {  	[sflag:s4] =	ssyncadd.s32 $0xFFFFE000;
	s18 =	sor.u32 $0x20, s15  }
0x2e: {  	s14 =	smul.u32 $0x8100, s14;
	v3 =	vld [tilespmem:s18+$0x10]  }
0x2f: {  	s30 =	sand.u32 $0x1, s11;
	v2 =	vld [tilespmem:s18+$0xFFFFFFF0]  }
0x30: {  	s15 =	smul.u32 $0x8100, s30;
	s14 =	sshrl.u32 s14, $0x2;
	v0 =	vld [tilespmem:s18+$0x0]  }
0x31: {  	v1 =	vld [tilespmem:s18+$0xFFFFFFE0];
	s16 =	sor.u32 $0x4000, s14  }
0x32: {  	s31 =	sshrl.u32 s15, $0x2;
	s15 =	sadd.s32 $0x0, s16  }
0x33: {  	s17 =	simm.s32 $0x4;
	s18 =	sadd.s32 $0x40, s18;
	s14 =	sor.u32 $0x4000, s31;
	[tilespmem:s15+$0x1830 ss:$0x81] =	vst.msk $0xffff, v3  }
.LBB1_3:
0x34: {  	v3 =	vld [tilespmem:s18+$0x10];
	p1 =	sne.s32 s17, $0x1FC;
	[tilespmem:s15+$0x810 ss:$0x81] =	vst.msk $0xffff, v2;
	s19 =	smov.u32 s17;
	s17 =	sadd.s32 $0x4, s17  }
.Ltmp3:
0x35: {  	v2 =	vld [tilespmem:s18+$0xFFFFFFF0];
	[tilespmem:s15+$0x1020 ss:$0x81] =	vst.msk $0xffff, v0;
	(pc) =	sbr.rel @p1 .LBB1_3-.Ltmp3, $4  }
0x36: {  	v0 =	vld [tilespmem:s18+$0x0];
	[tilespmem:s15+$0x0 ss:$0x81] =	vst.msk $0xffff, v1  }
0x37: {  	s15 =	sshra.s32 s19, $0x2;
	v1 =	vld [tilespmem:s18+$0xFFFFFFE0]  }
0x38: {  	s15 =	sadd.s32 s15, s16  }
0x39: {  	s18 =	sadd.s32 $0x40, s18;
	[tilespmem:s15+$0x1830 ss:$0x81] =	vst.msk $0xffff, v3  }
.Ltmp4:
0x3a: {  	_ = 	snop;
	(pc) =	sbr.rel .LBB1_4-.Ltmp4, $1  }
0x3b: {  	_ =	sdelay $0x3  }
.LBB1_6:
0x3c: {  	_ =	sfence.sel $0x180000  }
0x3d: {  	s2 =	simm.s32 $0x1;
	[bflag:$0x0] =	sbarrier.arrive $0xFFFF  }
0x3e: {  	s31 =	simm.s32 $0x2;
	[sflag:s2] =	ssyncpa.u1 $0x1  }
0x3f: {  	[sflag:s31] =	ssyncpa.u1 $0x1  }
0x40: {  	p0 =	sne.s32 s0, $0x0;
	_ =	strace $0x9000005B  }
0x41: {  	s0 =	sadd.s32 @!p0 $0x100000, s1;
	[bflag:$0x2] =	sbarrier.arrive $0xFFFF  }
0x42: {  	[sflag:s0] =	ssyncadd.tile.s32 @!p0 $0x1;
	_ =	shalt  }
.Lfunc_end1:
_tile_overlayer_lowered:
.L_overlay_start_2:
0x43: {  	(tag) =	ssettag $0x2  }
0x44: {  	s0 =	rddreg [dreg:$0x0];
	s2 =	stileid.u32  }
0x45: {  	s1 =	rddreg [dreg:$0x1];
	p0 =	sne.s32 s2, $0x0  }
0x46: {  	s3 =	rddreg [dreg:$0x2];
	[bflag:$0x3] =	sbarrier.arrive $0xFFFF;
	s2 =	simm.s32 @!p0 $0x1C01  }
0x47: {  	[timem:s3], [sflag:s2] =	dma.local @!p0 [hbm:s0], s1  }
0x48: {  	s0 =	simm.s32 @!p0 $0x1  }
0x49: {  	_ =	swait.ge @!p0 [sflag:s0], s1  }
0x4a: {  	s1 =	ssub.s32 @!p0 $0x0, s1;
	[sflag:s0] =	ssyncset.done @!p0 $0x0  }
0x4b: {  	[sflag:s0] =	ssyncadd.s32 @!p0 s1  }
0x4c: {  	[bflag:$0x3] =	sbarrier.arrive $0xFFFF  }
0x4d: {  	_ =	shalt  }

</sc_bundles>
